<compile_context>
chip_gen: v7x
topology: tpu7x:2x2x1
jax: 0.10.2.dev20260603
libtpu: 0.0.44.dev20260713+nightly
codegen_flags: <defaults>
</compile_context>

<pallas_src>
import functools

import jax
import jax.numpy as jnp
from jax import lax
from jax.experimental import pallas as pl
from jax.experimental.pallas import tpu as pltpu
from jax.experimental.pallas import tpu_sc as plsc

_B = 4
_NPC = 8192
_STRIDE = 4
_MPC = _NPC // _STRIDE
_NS = 16
_CIN = 64
_COUT = 128
_SUB = 8
_LAN = _NPC // _SUB
_QB = 128
_MB = 64

_BIGI = 2**30



_FR = _NPC // 128


def _allmax_row(x):
    for s in (64, 32, 16, 8, 4, 2, 1):
        x = jnp.maximum(x, pltpu.roll(x, s, 1))
    return x


def _allmin_row(x):
    for s in (64, 32, 16, 8, 4, 2, 1):
        x = jnp.minimum(x, pltpu.roll(x, s, 1))
    return x


def _fps_body(px_ref, py_ref, pz_ref, idx_ref, x_ref, y_ref, z_ref,
              d0_ref, d1_ref, d2_ref, d3_ref):
    drefs = [d0_ref, d1_ref, d2_ref, d3_ref]
    fidxf = (lax.broadcasted_iota(jnp.int32, (_FR, 128), 0) * 128
             + lax.broadcasted_iota(jnp.int32, (_FR, 128), 1)
             ).astype(jnp.float32)

    carry0 = []
    for b in range(_B):
        drefs[b][...] = jnp.full((_FR, 128), jnp.inf, jnp.float32)
        idx_ref[b, 0:1, :] = jnp.zeros((1, 1), jnp.int32)
        x0 = jnp.broadcast_to(px_ref[b, 0:1, 0:1], (1, 128))
        y0 = jnp.broadcast_to(py_ref[b, 0:1, 0:1], (1, 128))
        z0 = jnp.broadcast_to(pz_ref[b, 0:1, 0:1], (1, 128))
        x_ref[b, 0:1, :] = x0[:, 0:1]
        y_ref[b, 0:1, :] = y0[:, 0:1]
        z_ref[b, 0:1, :] = z0[:, 0:1]
        carry0 += [x0, y0, z0]

    rowi = lax.broadcasted_iota(jnp.int32, (_FR, 128), 0).astype(jnp.float32)
    lanei = lax.broadcasted_iota(jnp.int32, (1, 128), 1).astype(jnp.float32)

    def step(i, carry):
        colmax = []
        keys = []
        crows = []
        for b in range(_B):
            lx, ly, lz = carry[3 * b:3 * b + 3]
            px, py, pz = px_ref[b], py_ref[b], pz_ref[b]
            dx = px - lx
            dy = py - ly
            dz = pz - lz
            d = (dx * dx + dy * dy) + dz * dz
            dn = jnp.minimum(drefs[b][...], d)
            drefs[b][...] = dn
            cm = jnp.max(dn, axis=0, keepdims=True)
            rfirst = jnp.min(jnp.where(dn == cm, rowi, jnp.inf),
                             axis=0, keepdims=True)
            rsel = rowi == rfirst
            colmax.append(cm)
            keys.append(rfirst * 128.0 + lanei)
            crows.append(jnp.max(jnp.where(rsel, px, -jnp.inf),
                                 axis=0, keepdims=True))
            crows.append(jnp.max(jnp.where(rsel, py, -jnp.inf),
                                 axis=0, keepdims=True))
            crows.append(jnp.max(jnp.where(rsel, pz, -jnp.inf),
                                 axis=0, keepdims=True))
        m4c = jnp.concatenate(colmax, axis=0)
        key4 = jnp.concatenate(keys, axis=0)
        m4 = jnp.max(m4c, axis=1, keepdims=True)
        m4b = jnp.broadcast_to(m4, (_B, 128))
        j4 = jnp.min(jnp.where(m4c == m4b, key4, jnp.inf),
                     axis=1, keepdims=True)
        j4b = jnp.broadcast_to(j4, (_B, 128))
        lsel = key4 == j4b
        c12 = jnp.concatenate(crows, axis=0)
        nxt = []
        for b in range(_B):
            sb = lsel[b:b + 1]
            cx = jnp.max(jnp.where(sb, c12[3 * b:3 * b + 1], -jnp.inf),
                         axis=1, keepdims=True)
            cy = jnp.max(jnp.where(sb, c12[3 * b + 1:3 * b + 2], -jnp.inf),
                         axis=1, keepdims=True)
            cz = jnp.max(jnp.where(sb, c12[3 * b + 2:3 * b + 3], -jnp.inf),
                         axis=1, keepdims=True)
            cxb = jnp.broadcast_to(cx, (1, 128))
            cyb = jnp.broadcast_to(cy, (1, 128))
            czb = jnp.broadcast_to(cz, (1, 128))
            idx_ref[b, pl.ds(i, 1), :] = j4[b:b + 1].astype(jnp.int32)
            x_ref[b, pl.ds(i, 1), :] = cx
            y_ref[b, pl.ds(i, 1), :] = cy
            z_ref[b, pl.ds(i, 1), :] = cz
            nxt += [cxb, cyb, czb]
        return tuple(nxt)

    lax.fori_loop(1, _MPC, step, tuple(carry0))


def _fps_call(px, py, pz):
    out_shape = [
        jax.ShapeDtypeStruct((_B, _MPC, 1), jnp.int32),
        jax.ShapeDtypeStruct((_B, _MPC, 1), jnp.float32),
        jax.ShapeDtypeStruct((_B, _MPC, 1), jnp.float32),
        jax.ShapeDtypeStruct((_B, _MPC, 1), jnp.float32),
    ]
    return pl.pallas_call(
        _fps_body,
        out_shape=out_shape,
        scratch_shapes=[pltpu.VMEM((_FR, 128), jnp.float32)
                        for _ in range(_B)],
    )(px, py, pz)



def _knn_body(qx_ref, qy_ref, qz_ref, px_ref, py_ref, pz_ref, out_ref):
    b = pl.program_id(0)
    qx = qx_ref[0].reshape(_QB, 1)
    qy = qy_ref[0].reshape(_QB, 1)
    qz = qz_ref[0].reshape(_QB, 1)
    px = px_ref[...].reshape(1, _NPC)
    py = py_ref[...].reshape(1, _NPC)
    pz = pz_ref[...].reshape(1, _NPC)
    dx = qx - px
    dy = qy - py
    dz = qz - pz
    d = (dx * dx + dy * dy) + dz * dz
    col = lax.broadcasted_iota(jnp.int32, (_QB, _NPC), 1)
    picks = []
    for _ in range(_NS):
        m = jnp.min(d, axis=1, keepdims=True)
        c = jnp.min(jnp.where(d == m, col, _BIGI), axis=1, keepdims=True)
        picks.append(c)
        d = jnp.where(col == c, jnp.inf, d)
    out_ref[0] = jnp.concatenate(picks, axis=1) + b * _NPC


def _knn_call(qx, qy, qz, px, py, pz):
    nqb = _MPC // _QB
    grid = (_B, nqb)
    qspec = pl.BlockSpec((1, _QB, 1), lambda b, n: (b, n, 0))
    pspec = pl.BlockSpec((1, 1, _NPC), lambda b, n: (b, 0, 0))
    return pl.pallas_call(
        _knn_body,
        grid=grid,
        in_specs=[qspec, qspec, qspec, pspec, pspec, pspec],
        out_specs=pl.BlockSpec((1, _QB, _NS), lambda b, n: (b, n, 0)),
        out_shape=jax.ShapeDtypeStruct((_B, _MPC, _NS), jnp.int32),
    )(qx, qy, qz, px, py, pz)



_NROWS = _B * _MPC * _NS
_CHUNK = 128
_TW = 128


def _sc_gather_call(table, idx_flat):
    info = plsc.get_sparse_core_info()
    nc, nsub = info.num_cores, info.num_subcores
    nw = nc * nsub
    rows_per_w = _NROWS // nw
    nchunk = rows_per_w // _CHUNK
    mesh = plsc.VectorSubcoreMesh(core_axis_name="c", subcore_axis_name="s")

    @functools.partial(
        pl.kernel,
        mesh=mesh,
        out_type=jax.ShapeDtypeStruct((_NROWS, _TW), jnp.float32),
        scratch_types=[
            pltpu.VMEM((_CHUNK,), jnp.int32),
            pltpu.VMEM((_CHUNK, _TW), jnp.float32),
            pltpu.SemaphoreType.DMA,
        ],
    )
    def k(tab_hbm, idx_hbm, out_hbm, idx_v, rows_v, sem):
        wid = lax.axis_index("s") * nc + lax.axis_index("c")
        base_w = wid * rows_per_w

        def chunk(t, _):
            base = pl.multiple_of(base_w + t * _CHUNK, _CHUNK)
            pltpu.sync_copy(idx_hbm.at[pl.ds(base, _CHUNK)], idx_v)
            pltpu.async_copy(tab_hbm.at[idx_v], rows_v, sem).wait()
            pltpu.sync_copy(rows_v, out_hbm.at[pl.ds(base, _CHUNK)])
            return 0

        lax.fori_loop(0, nchunk, chunk, 0)

    return k(table, idx_flat)



def _mlp_body(g_ref, q_ref, w_ref, sc_ref, be_ref, out_ref):
    h = jnp.dot(g_ref[...], w_ref[...], preferred_element_type=jnp.float32)
    q = q_ref[...]
    w3 = w_ref[...]
    hq = (q[:, 0:1] * w3[0:1, :] + q[:, 1:2] * w3[1:2, :]
          + q[:, 2:3] * w3[2:3, :])
    h = h.reshape(_MB, _NS, _COUT) - hq[:, None, :]
    h = h * sc_ref[...][None] + be_ref[...][None]
    h = jnp.maximum(h, 0.0)
    out_ref[...] = jnp.max(h, axis=1)


def _mlp_call(grows, q3, wpad, scale, beta2):
    nblk = (_B * _MPC) // _MB
    rows = _MB * _NS
    return pl.pallas_call(
        _mlp_body,
        grid=(nblk,),
        in_specs=[
            pl.BlockSpec((rows, _TW), lambda i: (i, 0)),
            pl.BlockSpec((_MB, 3), lambda i: (i, 0)),
            pl.BlockSpec((_TW, _COUT), lambda i: (0, 0)),
            pl.BlockSpec((1, _COUT), lambda i: (0, 0)),
            pl.BlockSpec((1, _COUT), lambda i: (0, 0)),
        ],
        out_specs=pl.BlockSpec((_MB, _COUT), lambda i: (i, 0)),
        out_shape=jax.ShapeDtypeStruct((_B * _MPC, _COUT), jnp.float32),
    )(grows, q3, wpad, scale, beta2)



def kernel(point, feat, row_splits, W, gamma, beta):
    px = point[:, 0].reshape(_B, _FR, 128)
    py = point[:, 1].reshape(_B, _FR, 128)
    pz = point[:, 2].reshape(_B, _FR, 128)

    idx, sx, sy, sz = _fps_call(px, py, pz)

    pxr = point[:, 0].reshape(_B, 1, _NPC)
    pyr = point[:, 1].reshape(_B, 1, _NPC)
    pzr = point[:, 2].reshape(_B, 1, _NPC)
    idx_knn = _knn_call(sx, sy, sz, pxr, pyr, pzr)

    table = jnp.concatenate(
        [point, feat, jnp.zeros((_B * _NPC, _TW - 3 - _CIN), jnp.float32)],
        axis=1)
    grows = _sc_gather_call(table, idx_knn.reshape(-1))

    new_point = jnp.concatenate([sx, sy, sz], axis=2).reshape(_B * _MPC, 3)
    wpad = jnp.concatenate(
        [W, jnp.zeros((_TW - 3 - _CIN, _COUT), jnp.float32)], axis=0)
    scale = (gamma / jnp.sqrt(1.0 + 1e-5)).reshape(1, _COUT)
    beta2 = beta.reshape(1, _COUT)
    out_feat = _mlp_call(grows, new_point, wpad, scale, beta2)

    new_row_splits = (jnp.arange(_B + 1) * _MPC).astype(jnp.int32)
    return new_point, out_feat, new_row_splits

# --- scband reference (transcript-rebuilt; emitter-appended) ---
"""Pipeline reference for scband-transition-down-31817117728962 (READ-ONLY COPY).

The authoritative reference and input builder live on the scoring server;
editing this copy changes nothing except your own understanding.
"""

import jax, jax.numpy as jnp
import numpy as np

B = 4
NPC = 8192          # points per cloud
STRIDE = 4
MPC = NPC // STRIDE  # 2048 sampled centroids per cloud
NSAMPLE = 16
IN_PLANES = 64
OUT_PLANES = 128


def setup_inputs(seed: int = 0):
    key = jax.random.key(seed)
    k1, k2, k3 = jax.random.split(key, 3)
    point = jax.random.normal(k1, (B * NPC, 3), dtype=jnp.float32) * 2.0
    feat = jax.random.normal(k2, (B * NPC, IN_PLANES), dtype=jnp.float32)
    row_splits = (jnp.arange(B + 1) * NPC).astype(jnp.int32)
    # learned params: Dense(out_planes, use_bias=False) on 3+c input, BN gamma/beta
    W = jax.random.normal(k3, (3 + IN_PLANES, OUT_PLANES), dtype=jnp.float32) * 0.05
    gamma = jnp.ones((OUT_PLANES,), jnp.float32)
    beta = jnp.zeros((OUT_PLANES,), jnp.float32)
    return {"point": point, "feat": feat, "row_splits": row_splits, "W": W, "gamma": gamma, "beta": beta}


def _fps_one(pts):
    # furthest point sampling on one cloud (NPC, 3) -> (MPC,) local indices
    n = pts.shape[0]

    def body(i, state):
        idx_arr, dists = state
        last = pts[idx_arr[i - 1]]
        d = jnp.sum((pts - last) ** 2, axis=-1)
        dists = jnp.minimum(dists, d)
        nxt = jnp.argmax(dists).astype(jnp.int32)
        return idx_arr.at[i].set(nxt), dists

    idx0 = jnp.zeros((MPC,), jnp.int32)
    d0 = jnp.full((n,), jnp.inf, dtype=jnp.float32)
    idx_arr, _ = jax.lax.fori_loop(1, MPC, body, (idx0, d0))
    return idx_arr


def _compute_indices(point):
    # integer index computation (FPS + brute-force kNN); no gradients flow here
    pts_b = point.reshape(B, NPC, 3)
    idx_local = jax.vmap(_fps_one)(pts_b)  # (B, MPC)
    offsets = (jnp.arange(B) * NPC).astype(jnp.int32)
    idx_global = (idx_local + offsets[:, None]).reshape(-1)  # (B*MPC,)
    new_point = point[idx_global]
    q_b = new_point.reshape(B, MPC, 3)
    knn_list = []
    for b in range(B):
        d2 = jnp.sum((q_b[b][:, None, :] - pts_b[b][None, :, :]) ** 2, axis=-1)  # (MPC, NPC)
        _, nn = jax.lax.top_k(-d2, NSAMPLE)  # (MPC, NSAMPLE)
        knn_list.append(nn + b * NPC)
    idx_knn = jnp.concatenate(knn_list, axis=0)  # (B*MPC, NSAMPLE)
    return idx_global, idx_knn


def reference(point, feat, row_splits, W, gamma, beta):
    idx_global, idx_knn = _compute_indices(point)
    new_point = point[idx_global]                                   # (m, 3)
    # queryandgroup with use_xyz=True
    grouped_xyz = point[idx_knn] - new_point[:, None, :]            # (m, k, 3)
    grouped_feat = feat[idx_knn]                                    # (m, k, c)
    g = jnp.concatenate([grouped_xyz, grouped_feat], axis=-1)       # (m, k, 3+c)
    # linear -> BN (inference: moving_mean=0, moving_var=1) -> relu
    h = g @ W                                                       # (m, k, out)
    h = (h / jnp.sqrt(1.0 + 1e-5)) * gamma + beta
    h = jax.nn.relu(h)
    # MaxPool1D(nsample) over the neighbour axis then squeeze
    out_feat = jnp.max(h, axis=1)                                   # (m, out)
    new_row_splits = (jnp.arange(B + 1) * MPC).astype(jnp.int32)
    return new_point, out_feat, new_row_splits

if __name__ == "__main__":
    import jax
    _d = setup_inputs()
    print(jax.jit(kernel)(*tuple(_d.values())))

</pallas_src>

<mosaic_0001>
#map = affine_map<(d0, d1) -> (0, 0)>
#map1 = affine_map<(d0, d1) -> (0)>
module attributes {stable_mosaic.version = 14 : i64} {
  func.func @k(%arg0: i32, %arg1: i32, %arg2: memref<32768x128xf32, #tpu.memory_space<hbm>>, %arg3: memref<131072xi32, #tpu.memory_space<hbm>>, %arg4: memref<131072x128xf32, #tpu.memory_space<hbm>>, %arg5: memref<128xi32, #tpu.memory_space<vmem>>, %arg6: memref<128x128xf32, #tpu.memory_space<vmem>>, %arg7: memref<!tpu.dma_semaphore, #tpu.memory_space<semaphore_mem>>) attributes {dimension_semantics = [#tpu.dimension_semantics<core_parallel>, #tpu.dimension_semantics<subcore_parallel>], iteration_bounds = array<i64: 2, 16>, scalar_prefetch = 0 : i64, scratch_operands = 3 : i64, tpu.core_type = #tpu.core_type<sc_vector_subcore>, window_params = [{transform_indices = #map}, {transform_indices = #map1}, {transform_indices = #map}]} {
    %mul3A = arith.constant 2 : i32
    %mul3A_0 = arith.muli %arg1, %mul3A : i32
    %add3A = arith.addi %mul3A_0, %arg0 : i32
    %mul3A_1 = arith.constant 4096 : i32
    %mul3A_2 = arith.muli %add3A, %mul3A_1 : i32
    %scan3A = arith.constant 0 : i32
    %scan3A_3 = arith.constant 0 : i32
    %scan3A_4 = arith.constant 32 : i32
    %scan3A_5 = arith.addi %scan3A_3, %scan3A_4 : i32
    %scan3A_6 = arith.constant 1 : i32
    %scan3A_7 = scf.for %scan3A_9 = %scan3A_3 to %scan3A_5 step %scan3A_6 iter_args(%scan3A_10 = %scan3A) -> (i32)  : i32 {
      %mul3A_11 = arith.constant 128 : i32
      %mul3A_12 = arith.muli %scan3A_9, %mul3A_11 : i32
      %add3A_13 = arith.addi %mul3A_2, %mul3A_12 : i32
      %multiple_of3A = tpu.assume_multiple %add3A_13, 128 : i32
      "tpu.region"() ({
        %run_scoped3A = tpu.sem_alloc : memref<!tpu.dma_semaphore, #tpu.memory_space<semaphore_mem>>
        %dma_start3A_19 = tpu.memref_slice %arg3[%multiple_of3A] : memref<131072xi32, #tpu.memory_space<hbm>> -> memref<128xi32, #tpu.memory_space<hbm>>
        %dma_start3A_20 = tpu.memref_slice %arg3[%multiple_of3A] : memref<131072xi32, #tpu.memory_space<hbm>> -> memref<128xi32, #tpu.memory_space<hbm>>
        tpu.enqueue_dma source(%dma_start3A_20 : memref<128xi32, #tpu.memory_space<hbm>>) target(%arg5 : memref<128xi32, #tpu.memory_space<vmem>>) target_semaphore(%run_scoped3A : memref<!tpu.dma_semaphore, #tpu.memory_space<semaphore_mem>>)
        %dma_wait3A_21 = tpu.memref_slice %arg3[%multiple_of3A] : memref<131072xi32, #tpu.memory_space<hbm>> -> memref<128xi32, #tpu.memory_space<hbm>>
        %dma_wait3A_22 = tpu.memref_slice %arg3[%multiple_of3A] : memref<131072xi32, #tpu.memory_space<hbm>> -> memref<128xi32, #tpu.memory_space<hbm>>
        tpu.wait_dma2 semaphore(%run_scoped3A : memref<!tpu.dma_semaphore, #tpu.memory_space<semaphore_mem>>) src(%dma_wait3A_22 : memref<128xi32, #tpu.memory_space<hbm>>) dst(%arg5 : memref<128xi32, #tpu.memory_space<vmem>>)
        tpu.yield
      }) : () -> ()
      %dma_start3A = arith.constant 0 : i32
      %dma_start3A_14 = arith.constant 0 : i32
      %dma_start3A_15 = tpu.memref_slice %arg2[%dma_start3A, %dma_start3A_14] : memref<32768x128xf32, #tpu.memory_space<hbm>> -> memref<32768x128xf32, #tpu.memory_space<hbm>>
      tpu.enqueue_indirect_dma source(%dma_start3A_15 : memref<32768x128xf32, #tpu.memory_space<hbm>>) target(%arg6 : memref<128x128xf32, #tpu.memory_space<vmem>>) offsets(%arg5 : memref<128xi32, #tpu.memory_space<vmem>>) semaphore(%arg7 : memref<!tpu.dma_semaphore, #tpu.memory_space<semaphore_mem>>)
      %dma_wait3A = arith.constant 0 : i32
      %dma_wait3A_16 = arith.constant 0 : i32
      %dma_wait3A_17 = tpu.memref_slice %arg2[%dma_wait3A, %dma_wait3A_16] : memref<32768x128xf32, #tpu.memory_space<hbm>> -> memref<32768x128xf32, #tpu.memory_space<hbm>>
      tpu.wait_indirect_dma semaphore(%arg7 : memref<!tpu.dma_semaphore, #tpu.memory_space<semaphore_mem>>) src(%dma_wait3A_17 : memref<32768x128xf32, #tpu.memory_space<hbm>>) dst(%arg6 : memref<128x128xf32, #tpu.memory_space<vmem>>)
      "tpu.region"() ({
        %run_scoped3A = tpu.sem_alloc : memref<!tpu.dma_semaphore, #tpu.memory_space<semaphore_mem>>
        %dma_start3A_19 = arith.constant 0 : i32
        %dma_start3A_20 = tpu.memref_slice %arg4[%multiple_of3A, %dma_start3A_19] : memref<131072x128xf32, #tpu.memory_space<hbm>> -> memref<128x128xf32, #tpu.memory_space<hbm>>
        %dma_start3A_21 = arith.constant 0 : i32
        %dma_start3A_22 = tpu.memref_slice %arg4[%multiple_of3A, %dma_start3A_21] : memref<131072x128xf32, #tpu.memory_space<hbm>> -> memref<128x128xf32, #tpu.memory_space<hbm>>
        tpu.enqueue_dma source(%arg6 : memref<128x128xf32, #tpu.memory_space<vmem>>) target(%dma_start3A_22 : memref<128x128xf32, #tpu.memory_space<hbm>>) target_semaphore(%run_scoped3A : memref<!tpu.dma_semaphore, #tpu.memory_space<semaphore_mem>>)
        %dma_wait3A_23 = arith.constant 0 : i32
        %dma_wait3A_24 = tpu.memref_slice %arg4[%multiple_of3A, %dma_wait3A_23] : memref<131072x128xf32, #tpu.memory_space<hbm>> -> memref<128x128xf32, #tpu.memory_space<hbm>>
        %dma_wait3A_25 = arith.constant 0 : i32
        %dma_wait3A_26 = tpu.memref_slice %arg4[%multiple_of3A, %dma_wait3A_25] : memref<131072x128xf32, #tpu.memory_space<hbm>> -> memref<128x128xf32, #tpu.memory_space<hbm>>
        tpu.wait_dma2 semaphore(%run_scoped3A : memref<!tpu.dma_semaphore, #tpu.memory_space<semaphore_mem>>) src(%arg6 : memref<128x128xf32, #tpu.memory_space<vmem>>) dst(%dma_wait3A_26 : memref<128x128xf32, #tpu.memory_space<hbm>>)
        tpu.yield
      }) : () -> ()
      %scan3A_18 = arith.constant 0 : i32
      scf.yield %scan3A_18 : i32
    }
    %scan3A_8 = arith.constant 32 : i32
    return
  }
}

module attributes {stable_mosaic.version = 14 : i64} {
  func.func @_fps_body(%arg0: memref<4x64x128xf32, #tpu.memory_space<vmem>>, %arg1: memref<4x64x128xf32, #tpu.memory_space<vmem>>, %arg2: memref<4x64x128xf32, #tpu.memory_space<vmem>>, %arg3: memref<4x2048x1xi32, #tpu.memory_space<vmem>>, %arg4: memref<4x2048x1xf32, #tpu.memory_space<vmem>>, %arg5: memref<4x2048x1xf32, #tpu.memory_space<vmem>>, %arg6: memref<4x2048x1xf32, #tpu.memory_space<vmem>>, %arg7: memref<64x128xf32, #tpu.memory_space<vmem>>, %arg8: memref<64x128xf32, #tpu.memory_space<vmem>>, %arg9: memref<64x128xf32, #tpu.memory_space<vmem>>, %arg10: memref<64x128xf32, #tpu.memory_space<vmem>>) attributes {dimension_semantics = [], scalar_prefetch = 0 : i64, scratch_operands = 4 : i64, tpu.core_type = #tpu.core_type<tc>} {
    %broadcast_in_dim3A = arith.constant 0x7F800000 : f32
    %broadcast_in_dim3A_0 = vector.broadcast %broadcast_in_dim3A : f32 to vector<64x128xf32>
    %swap3A = arith.constant 0 : index
    %swap3A_1 = arith.constant 0 : index
    %swap3A_2 = vector.load %arg7[%swap3A, %swap3A_1] : memref<64x128xf32, #tpu.memory_space<vmem>>, vector<64x128xf32>
    tpu.vector_store %arg7[%swap3A, %swap3A_1], %broadcast_in_dim3A_0 {strides = array<i32>} : memref<64x128xf32, #tpu.memory_space<vmem>>, vector<64x128xf32>,
    %broadcast_in_dim3A_3 = arith.constant 0 : i32
    %broadcast_in_dim3A_4 = vector.broadcast %broadcast_in_dim3A_3 : i32 to vector<1x1xi32>
    %swap3A_5 = arith.constant 0 : index
    %swap3A_6 = arith.constant 0 : index
    %swap3A_7 = arith.constant 0 : index
    %swap3A_8 = vector.load %arg3[%swap3A_5, %swap3A_6, %swap3A_7] : memref<4x2048x1xi32, #tpu.memory_space<vmem>>, vector<1x1x1xi32>
    %swap3A_9 = vector.shape_cast %swap3A_8 : vector<1x1x1xi32> to vector<1x1xi32>
    %swap3A_10 = vector.shape_cast %broadcast_in_dim3A_4 : vector<1x1xi32> to vector<1x1x1xi32>
    tpu.vector_store %arg3[%swap3A_5, %swap3A_6, %swap3A_7], %swap3A_10 {strides = array<i32>} : memref<4x2048x1xi32, #tpu.memory_space<vmem>>, vector<1x1x1xi32>,
    %get3A = arith.constant 0 : index
    %get3A_11 = arith.constant 0 : index
    %get3A_12 = arith.constant 0 : index
    %get3A_13 = vector.load %arg0[%get3A, %get3A_11, %get3A_12] : memref<4x64x128xf32, #tpu.memory_space<vmem>>, vector<1x1x1xf32>
    %get3A_14 = vector.shape_cast %get3A_13 : vector<1x1x1xf32> to vector<1x1xf32>
    %broadcast_in_dim3A_15 = vector.shape_cast %get3A_14 : vector<1x1xf32> to vector<1x1xf32>
    %broadcast_in_dim3A_16 = vector.broadcast %broadcast_in_dim3A_15 : vector<1x1xf32> to vector<1x128xf32>
    %get3A_17 = arith.constant 0 : index
    %get3A_18 = arith.constant 0 : index
    %get3A_19 = arith.constant 0 : index
    %get3A_20 = vector.load %arg1[%get3A_17, %get3A_18, %get3A_19] : memref<4x64x128xf32, #tpu.memory_space<vmem>>, vector<1x1x1xf32>
    %get3A_21 = vector.shape_cast %get3A_20 : vector<1x1x1xf32> to vector<1x1xf32>
    %broadcast_in_dim3A_22 = vector.shape_cast %get3A_21 : vector<1x1xf32> to vector<1x1xf32>
    %broadcast_in_dim3A_23 = vector.broadcast %broadcast_in_dim3A_22 : vector<1x1xf32> to vector<1x128xf32>
    %get3A_24 = arith.constant 0 : index
    %get3A_25 = arith.constant 0 : index
    %get3A_26 = arith.constant 0 : index
    %get3A_27 = vector.load %arg2[%get3A_24, %get3A_25, %get3A_26] : memref<4x64x128xf32, #tpu.memory_space<vmem>>, vector<1x1x1xf32>
    %get3A_28 = vector.shape_cast %get3A_27 : vector<1x1x1xf32> to vector<1x1xf32>
    %broadcast_in_dim3A_29 = vector.shape_cast %get3A_28 : vector<1x1xf32> to vector<1x1xf32>
    %broadcast_in_dim3A_30 = vector.broadcast %broadcast_in_dim3A_29 : vector<1x1xf32> to vector<1x128xf32>
    %slice3A = vector.extract_strided_slice %broadcast_in_dim3A_16 {offsets = [0, 0], sizes = [1, 1], strides = [1, 1]} : vector<1x128xf32> to vector<1x1xf32>
    %swap3A_31 = arith.constant 0 : index
    %swap3A_32 = arith.constant 0 : index
    %swap3A_33 = arith.constant 0 : index
    %swap3A_34 = vector.load %arg4[%swap3A_31, %swap3A_32, %swap3A_33] : memref<4x2048x1xf32, #tpu.memory_space<vmem>>, vector<1x1x1xf32>
    %swap3A_35 = vector.shape_cast %swap3A_34 : vector<1x1x1xf32> to vector<1x1xf32>
    %swap3A_36 = vector.shape_cast %slice3A : vector<1x1xf32> to vector<1x1x1xf32>
    tpu.vector_store %arg4[%swap3A_31, %swap3A_32, %swap3A_33], %swap3A_36 {strides = array<i32>} : memref<4x2048x1xf32, #tpu.memory_space<vmem>>, vector<1x1x1xf32>,
    %slice3A_37 = vector.extract_strided_slice %broadcast_in_dim3A_23 {offsets = [0, 0], sizes = [1, 1], strides = [1, 1]} : vector<1x128xf32> to vector<1x1xf32>
    %swap3A_38 = arith.constant 0 : index
    %swap3A_39 = arith.constant 0 : index
    %swap3A_40 = arith.constant 0 : index
    %swap3A_41 = vector.load %arg5[%swap3A_38, %swap3A_39, %swap3A_40] : memref<4x2048x1xf32, #tpu.memory_space<vmem>>, vector<1x1x1xf32>
    %swap3A_42 = vector.shape_cast %swap3A_41 : vector<1x1x1xf32> to vector<1x1xf32>
    %swap3A_43 = vector.shape_cast %slice3A_37 : vector<1x1xf32> to vector<1x1x1xf32>
    tpu.vector_store %arg5[%swap3A_38, %swap3A_39, %swap3A_40], %swap3A_43 {strides = array<i32>} : memref<4x2048x1xf32, #tpu.memory_space<vmem>>, vector<1x1x1xf32>,
    %slice3A_44 = vector.extract_strided_slice %broadcast_in_dim3A_30 {offsets = [0, 0], sizes = [1, 1], strides = [1, 1]} : vector<1x128xf32> to vector<1x1xf32>
    %swap3A_45 = arith.constant 0 : index
    %swap3A_46 = arith.constant 0 : index
    %swap3A_47 = arith.constant 0 : index
    %swap3A_48 = vector.load %arg6[%swap3A_45, %swap3A_46, %swap3A_47] : memref<4x2048x1xf32, #tpu.memory_space<vmem>>, vector<1x1x1xf32>
    %swap3A_49 = vector.shape_cast %swap3A_48 : vector<1x1x1xf32> to vector<1x1xf32>
    %swap3A_50 = vector.shape_cast %slice3A_44 : vector<1x1xf32> to vector<1x1x1xf32>
    tpu.vector_store %arg6[%swap3A_45, %swap3A_46, %swap3A_47], %swap3A_50 {strides = array<i32>} : memref<4x2048x1xf32, #tpu.memory_space<vmem>>, vector<1x1x1xf32>,
    %broadcast_in_dim3A_51 = arith.constant 0x7F800000 : f32
    %broadcast_in_dim3A_52 = vector.broadcast %broadcast_in_dim3A_51 : f32 to vector<64x128xf32>
    %swap3A_53 = arith.constant 0 : index
    %swap3A_54 = arith.constant 0 : index
    %swap3A_55 = vector.load %arg8[%swap3A_53, %swap3A_54] : memref<64x128xf32, #tpu.memory_space<vmem>>, vector<64x128xf32>
    tpu.vector_store %arg8[%swap3A_53, %swap3A_54], %broadcast_in_dim3A_52 {strides = array<i32>} : memref<64x128xf32, #tpu.memory_space<vmem>>, vector<64x128xf32>,
    %broadcast_in_dim3A_56 = arith.constant 0 : i32
    %broadcast_in_dim3A_57 = vector.broadcast %broadcast_in_dim3A_56 : i32 to vector<1x1xi32>
    %swap3A_58 = arith.constant 1 : index
    %swap3A_59 = arith.constant 0 : index
    %swap3A_60 = arith.constant 0 : index
    %swap3A_61 = vector.load %arg3[%swap3A_58, %swap3A_59, %swap3A_60] : memref<4x2048x1xi32, #tpu.memory_space<vmem>>, vector<1x1x1xi32>
    %swap3A_62 = vector.shape_cast %swap3A_61 : vector<1x1x1xi32> to vector<1x1xi32>
    %swap3A_63 = vector.shape_cast %broadcast_in_dim3A_57 : vector<1x1xi32> to vector<1x1x1xi32>
    tpu.vector_store %arg3[%swap3A_58, %swap3A_59, %swap3A_60], %swap3A_63 {strides = array<i32>} : memref<4x2048x1xi32, #tpu.memory_space<vmem>>, vector<1x1x1xi32>,
    %get3A_64 = arith.constant 1 : index
    %get3A_65 = arith.constant 0 : index
    %get3A_66 = arith.constant 0 : index
    %get3A_67 = vector.load %arg0[%get3A_64, %get3A_65, %get3A_66] : memref<4x64x128xf32, #tpu.memory_space<vmem>>, vector<1x1x1xf32>
    %get3A_68 = vector.shape_cast %get3A_67 : vector<1x1x1xf32> to vector<1x1xf32>
    %broadcast_in_dim3A_69 = vector.shape_cast %get3A_68 : vector<1x1xf32> to vector<1x1xf32>
    %broadcast_in_dim3A_70 = vector.broadcast %broadcast_in_dim3A_69 : vector<1x1xf32> to vector<1x128xf32>
    %get3A_71 = arith.constant 1 : index
    %get3A_72 = arith.constant 0 : index
    %get3A_73 = arith.constant 0 : index
    %get3A_74 = vector.load %arg1[%get3A_71, %get3A_72, %get3A_73] : memref<4x64x128xf32, #tpu.memory_space<vmem>>, vector<1x1x1xf32>
    %get3A_75 = vector.shape_cast %get3A_74 : vector<1x1x1xf32> to vector<1x1xf32>
    %broadcast_in_dim3A_76 = vector.shape_cast %get3A_75 : vector<1x1xf32> to vector<1x1xf32>
    %broadcast_in_dim3A_77 = vector.broadcast %broadcast_in_dim3A_76 : vector<1x1xf32> to vector<1x128xf32>
    %get3A_78 = arith.constant 1 : index
    %get3A_79 = arith.constant 0 : index
    %get3A_80 = arith.constant 0 : index
    %get3A_81 = vector.load %arg2[%get3A_78, %get3A_79, %get3A_80] : memref<4x64x128xf32, #tpu.memory_space<vmem>>, vector<1x1x1xf32>
    %get3A_82 = vector.shape_cast %get3A_81 : vector<1x1x1xf32> to vector<1x1xf32>
    %broadcast_in_dim3A_83 = vector.shape_cast %get3A_82 : vector<1x1xf32> to vector<1x1xf32>
    %broadcast_in_dim3A_84 = vector.broadcast %broadcast_in_dim3A_83 : vector<1x1xf32> to vector<1x128xf32>
    %slice3A_85 = vector.extract_strided_slice %broadcast_in_dim3A_70 {offsets = [0, 0], sizes = [1, 1], strides = [1, 1]} : vector<1x128xf32> to vector<1x1xf32>
    %swap3A_86 = arith.constant 1 : index
    %swap3A_87 = arith.constant 0 : index
    %swap3A_88 = arith.constant 0 : index
    %swap3A_89 = vector.load %arg4[%swap3A_86, %swap3A_87, %swap3A_88] : memref<4x2048x1xf32, #tpu.memory_space<vmem>>, vector<1x1x1xf32>
    %swap3A_90 = vector.shape_cast %swap3A_89 : vector<1x1x1xf32> to vector<1x1xf32>
    %swap3A_91 = vector.shape_cast %slice3A_85 : vector<1x1xf32> to vector<1x1x1xf32>
    tpu.vector_store %arg4[%swap3A_86, %swap3A_87, %swap3A_88], %swap3A_91 {strides = array<i32>} : memref<4x2048x1xf32, #tpu.memory_space<vmem>>, vector<1x1x1xf32>,
    %slice3A_92 = vector.extract_strided_slice %broadcast_in_dim3A_77 {offsets = [0, 0], sizes = [1, 1], strides = [1, 1]} : vector<1x128xf32> to vector<1x1xf32>
    %swap3A_93 = arith.constant 1 : index
    %swap3A_94 = arith.constant 0 : index
    %swap3A_95 = arith.constant 0 : index
    %swap3A_96 = vector.load %arg5[%swap3A_93, %swap3A_94, %swap3A_95] : memref<4x2048x1xf32, #tpu.memory_space<vmem>>, vector<1x1x1xf32>
    %swap3A_97 = vector.shape_cast %swap3A_96 : vector<1x1x1xf32> to vector<1x1xf32>
    %swap3A_98 = vector.shape_cast %slice3A_92 : vector<1x1xf32> to vector<1x1x1xf32>
    tpu.vector_store %arg5[%swap3A_93, %swap3A_94, %swap3A_95], %swap3A_98 {strides = array<i32>} : memref<4x2048x1xf32, #tpu.memory_space<vmem>>, vector<1x1x1xf32>,
    %slice3A_99 = vector.extract_strided_slice %broadcast_in_dim3A_84 {offsets = [0, 0], sizes = [1, 1], strides = [1, 1]} : vector<1x128xf32> to vector<1x1xf32>
    %swap3A_100 = arith.constant 1 : index
    %swap3A_101 = arith.constant 0 : index
    %swap3A_102 = arith.constant 0 : index
    %swap3A_103 = vector.load %arg6[%swap3A_100, %swap3A_101, %swap3A_102] : memref<4x2048x1xf32, #tpu.memory_space<vmem>>, vector<1x1x1xf32>
    %swap3A_104 = vector.shape_cast %swap3A_103 : vector<1x1x1xf32> to vector<1x1xf32>
    %swap3A_105 = vector.shape_cast %slice3A_99 : vector<1x1xf32> to vector<1x1x1xf32>
    tpu.vector_store %arg6[%swap3A_100, %swap3A_101, %swap3A_102], %swap3A_105 {strides = array<i32>} : memref<4x2048x1xf32, #tpu.memory_space<vmem>>, vector<1x1x1xf32>,
    %broadcast_in_dim3A_106 = arith.constant 0x7F800000 : f32
    %broadcast_in_dim3A_107 = vector.broadcast %broadcast_in_dim3A_106 : f32 to vector<64x128xf32>
    %swap3A_108 = arith.constant 0 : index
    %swap3A_109 = arith.constant 0 : index
    %swap3A_110 = vector.load %arg9[%swap3A_108, %swap3A_109] : memref<64x128xf32, #tpu.memory_space<vmem>>, vector<64x128xf32>
    tpu.vector_store %arg9[%swap3A_108, %swap3A_109], %broadcast_in_dim3A_107 {strides = array<i32>} : memref<64x128xf32, #tpu.memory_space<vmem>>, vector<64x128xf32>,
    %broadcast_in_dim3A_111 = arith.constant 0 : i32
    %broadcast_in_dim3A_112 = vector.broadcast %broadcast_in_dim3A_111 : i32 to vector<1x1xi32>
    %swap3A_113 = arith.constant 2 : index
    %swap3A_114 = arith.constant 0 : index
    %swap3A_115 = arith.constant 0 : index
    %swap3A_116 = vector.load %arg3[%swap3A_113, %swap3A_114, %swap3A_115] : memref<4x2048x1xi32, #tpu.memory_space<vmem>>, vector<1x1x1xi32>
    %swap3A_117 = vector.shape_cast %swap3A_116 : vector<1x1x1xi32> to vector<1x1xi32>
    %swap3A_118 = vector.shape_cast %broadcast_in_dim3A_112 : vector<1x1xi32> to vector<1x1x1xi32>
    tpu.vector_store %arg3[%swap3A_113, %swap3A_114, %swap3A_115], %swap3A_118 {strides = array<i32>} : memref<4x2048x1xi32, #tpu.memory_space<vmem>>, vector<1x1x1xi32>,
    %get3A_119 = arith.constant 2 : index
    %get3A_120 = arith.constant 0 : index
    %get3A_121 = arith.constant 0 : index
    %get3A_122 = vector.load %arg0[%get3A_119, %get3A_120, %get3A_121] : memref<4x64x128xf32, #tpu.memory_space<vmem>>, vector<1x1x1xf32>
    %get3A_123 = vector.shape_cast %get3A_122 : vector<1x1x1xf32> to vector<1x1xf32>
    %broadcast_in_dim3A_124 = vector.shape_cast %get3A_123 : vector<1x1xf32> to vector<1x1xf32>
    %broadcast_in_dim3A_125 = vector.broadcast %broadcast_in_dim3A_124 : vector<1x1xf32> to vector<1x128xf32>
    %get3A_126 = arith.constant 2 : index
    %get3A_127 = arith.constant 0 : index
    %get3A_128 = arith.constant 0 : index
    %get3A_129 = vector.load %arg1[%get3A_126, %get3A_127, %get3A_128] : memref<4x64x128xf32, #tpu.memory_space<vmem>>, vector<1x1x1xf32>
    %get3A_130 = vector.shape_cast %get3A_129 : vector<1x1x1xf32> to vector<1x1xf32>
    %broadcast_in_dim3A_131 = vector.shape_cast %get3A_130 : vector<1x1xf32> to vector<1x1xf32>
    %broadcast_in_dim3A_132 = vector.broadcast %broadcast_in_dim3A_131 : vector<1x1xf32> to vector<1x128xf32>
    %get3A_133 = arith.constant 2 : index
    %get3A_134 = arith.constant 0 : index
    %get3A_135 = arith.constant 0 : index
    %get3A_136 = vector.load %arg2[%get3A_133, %get3A_134, %get3A_135] : memref<4x64x128xf32, #tpu.memory_space<vmem>>, vector<1x1x1xf32>
    %get3A_137 = vector.shape_cast %get3A_136 : vector<1x1x1xf32> to vector<1x1xf32>
    %broadcast_in_dim3A_138 = vector.shape_cast %get3A_137 : vector<1x1xf32> to vector<1x1xf32>
    %broadcast_in_dim3A_139 = vector.broadcast %broadcast_in_dim3A_138 : vector<1x1xf32> to vector<1x128xf32>
    %slice3A_140 = vector.extract_strided_slice %broadcast_in_dim3A_125 {offsets = [0, 0], sizes = [1, 1], strides = [1, 1]} : vector<1x128xf32> to vector<1x1xf32>
    %swap3A_141 = arith.constant 2 : index
    %swap3A_142 = arith.constant 0 : index
    %swap3A_143 = arith.constant 0 : index
    %swap3A_144 = vector.load %arg4[%swap3A_141, %swap3A_142, %swap3A_143] : memref<4x2048x1xf32, #tpu.memory_space<vmem>>, vector<1x1x1xf32>
    %swap3A_145 = vector.shape_cast %swap3A_144 : vector<1x1x1xf32> to vector<1x1xf32>
    %swap3A_146 = vector.shape_cast %slice3A_140 : vector<1x1xf32> to vector<1x1x1xf32>
    tpu.vector_store %arg4[%swap3A_141, %swap3A_142, %swap3A_143], %swap3A_146 {strides = array<i32>} : memref<4x2048x1xf32, #tpu.memory_space<vmem>>, vector<1x1x1xf32>,
    %slice3A_147 = vector.extract_strided_slice %broadcast_in_dim3A_132 {offsets = [0, 0], sizes = [1, 1], strides = [1, 1]} : vector<1x128xf32> to vector<1x1xf32>
    %swap3A_148 = arith.constant 2 : index
    %swap3A_149 = arith.constant 0 : index
    %swap3A_150 = arith.constant 0 : index
    %swap3A_151 = vector.load %arg5[%swap3A_148, %swap3A_149, %swap3A_150] : memref<4x2048x1xf32, #tpu.memory_space<vmem>>, vector<1x1x1xf32>
    %swap3A_152 = vector.shape_cast %swap3A_151 : vector<1x1x1xf32> to vector<1x1xf32>
    %swap3A_153 = vector.shape_cast %slice3A_147 : vector<1x1xf32> to vector<1x1x1xf32>
    tpu.vector_store %arg5[%swap3A_148, %swap3A_149, %swap3A_150], %swap3A_153 {strides = array<i32>} : memref<4x2048x1xf32, #tpu.memory_space<vmem>>, vector<1x1x1xf32>,
    %slice3A_154 = vector.extract_strided_slice %broadcast_in_dim3A_139 {offsets = [0, 0], sizes = [1, 1], strides = [1, 1]} : vector<1x128xf32> to vector<1x1xf32>
    %swap3A_155 = arith.constant 2 : index
    %swap3A_156 = arith.constant 0 : index
    %swap3A_157 = arith.constant 0 : index
    %swap3A_158 = vector.load %arg6[%swap3A_155, %swap3A_156, %swap3A_157] : memref<4x2048x1xf32, #tpu.memory_space<vmem>>, vector<1x1x1xf32>
    %swap3A_159 = vector.shape_cast %swap3A_158 : vector<1x1x1xf32> to vector<1x1xf32>
    %swap3A_160 = vector.shape_cast %slice3A_154 : vector<1x1xf32> to vector<1x1x1xf32>
    tpu.vector_store %arg6[%swap3A_155, %swap3A_156, %swap3A_157], %swap3A_160 {strides = array<i32>} : memref<4x2048x1xf32, #tpu.memory_space<vmem>>, vector<1x1x1xf32>,
    %broadcast_in_dim3A_161 = arith.constant 0x7F800000 : f32
    %broadcast_in_dim3A_162 = vector.broadcast %broadcast_in_dim3A_161 : f32 to vector<64x128xf32>
    %swap3A_163 = arith.constant 0 : index
    %swap3A_164 = arith.constant 0 : index
    %swap3A_165 = vector.load %arg10[%swap3A_163, %swap3A_164] : memref<64x128xf32, #tpu.memory_space<vmem>>, vector<64x128xf32>
    tpu.vector_store %arg10[%swap3A_163, %swap3A_164], %broadcast_in_dim3A_162 {strides = array<i32>} : memref<64x128xf32, #tpu.memory_space<vmem>>, vector<64x128xf32>,
    %broadcast_in_dim3A_166 = arith.constant 0 : i32
    %broadcast_in_dim3A_167 = vector.broadcast %broadcast_in_dim3A_166 : i32 to vector<1x1xi32>
    %swap3A_168 = arith.constant 3 : index
    %swap3A_169 = arith.constant 0 : index
    %swap3A_170 = arith.constant 0 : index
    %swap3A_171 = vector.load %arg3[%swap3A_168, %swap3A_169, %swap3A_170] : memref<4x2048x1xi32, #tpu.memory_space<vmem>>, vector<1x1x1xi32>
    %swap3A_172 = vector.shape_cast %swap3A_171 : vector<1x1x1xi32> to vector<1x1xi32>
    %swap3A_173 = vector.shape_cast %broadcast_in_dim3A_167 : vector<1x1xi32> to vector<1x1x1xi32>
    tpu.vector_store %arg3[%swap3A_168, %swap3A_169, %swap3A_170], %swap3A_173 {strides = array<i32>} : memref<4x2048x1xi32, #tpu.memory_space<vmem>>, vector<1x1x1xi32>,
    %get3A_174 = arith.constant 3 : index
    %get3A_175 = arith.constant 0 : index
    %get3A_176 = arith.constant 0 : index
    %get3A_177 = vector.load %arg0[%get3A_174, %get3A_175, %get3A_176] : memref<4x64x128xf32, #tpu.memory_space<vmem>>, vector<1x1x1xf32>
    %get3A_178 = vector.shape_cast %get3A_177 : vector<1x1x1xf32> to vector<1x1xf32>
    %broadcast_in_dim3A_179 = vector.shape_cast %get3A_178 : vector<1x1xf32> to vector<1x1xf32>
    %broadcast_in_dim3A_180 = vector.broadcast %broadcast_in_dim3A_179 : vector<1x1xf32> to vector<1x128xf32>
    %get3A_181 = arith.constant 3 : index
    %get3A_182 = arith.constant 0 : index
    %get3A_183 = arith.constant 0 : index
    %get3A_184 = vector.load %arg1[%get3A_181, %get3A_182, %get3A_183] : memref<4x64x128xf32, #tpu.memory_space<vmem>>, vector<1x1x1xf32>
    %get3A_185 = vector.shape_cast %get3A_184 : vector<1x1x1xf32> to vector<1x1xf32>
    %broadcast_in_dim3A_186 = vector.shape_cast %get3A_185 : vector<1x1xf32> to vector<1x1xf32>
    %broadcast_in_dim3A_187 = vector.broadcast %broadcast_in_dim3A_186 : vector<1x1xf32> to vector<1x128xf32>
    %get3A_188 = arith.constant 3 : index
    %get3A_189 = arith.constant 0 : index
    %get3A_190 = arith.constant 0 : index
    %get3A_191 = vector.load %arg2[%get3A_188, %get3A_189, %get3A_190] : memref<4x64x128xf32, #tpu.memory_space<vmem>>, vector<1x1x1xf32>
    %get3A_192 = vector.shape_cast %get3A_191 : vector<1x1x1xf32> to vector<1x1xf32>
    %broadcast_in_dim3A_193 = vector.shape_cast %get3A_192 : vector<1x1xf32> to vector<1x1xf32>
    %broadcast_in_dim3A_194 = vector.broadcast %broadcast_in_dim3A_193 : vector<1x1xf32> to vector<1x128xf32>
    %slice3A_195 = vector.extract_strided_slice %broadcast_in_dim3A_180 {offsets = [0, 0], sizes = [1, 1], strides = [1, 1]} : vector<1x128xf32> to vector<1x1xf32>
    %swap3A_196 = arith.constant 3 : index
    %swap3A_197 = arith.constant 0 : index
    %swap3A_198 = arith.constant 0 : index
    %swap3A_199 = vector.load %arg4[%swap3A_196, %swap3A_197, %swap3A_198] : memref<4x2048x1xf32, #tpu.memory_space<vmem>>, vector<1x1x1xf32>
    %swap3A_200 = vector.shape_cast %swap3A_199 : vector<1x1x1xf32> to vector<1x1xf32>
    %swap3A_201 = vector.shape_cast %slice3A_195 : vector<1x1xf32> to vector<1x1x1xf32>
    tpu.vector_store %arg4[%swap3A_196, %swap3A_197, %swap3A_198], %swap3A_201 {strides = array<i32>} : memref<4x2048x1xf32, #tpu.memory_space<vmem>>, vector<1x1x1xf32>,
    %slice3A_202 = vector.extract_strided_slice %broadcast_in_dim3A_187 {offsets = [0, 0], sizes = [1, 1], strides = [1, 1]} : vector<1x128xf32> to vector<1x1xf32>
    %swap3A_203 = arith.constant 3 : index
    %swap3A_204 = arith.constant 0 : index
    %swap3A_205 = arith.constant 0 : index
    %swap3A_206 = vector.load %arg5[%swap3A_203, %swap3A_204, %swap3A_205] : memref<4x2048x1xf32, #tpu.memory_space<vmem>>, vector<1x1x1xf32>
    %swap3A_207 = vector.shape_cast %swap3A_206 : vector<1x1x1xf32> to vector<1x1xf32>
    %swap3A_208 = vector.shape_cast %slice3A_202 : vector<1x1xf32> to vector<1x1x1xf32>
    tpu.vector_store %arg5[%swap3A_203, %swap3A_204, %swap3A_205], %swap3A_208 {strides = array<i32>} : memref<4x2048x1xf32, #tpu.memory_space<vmem>>, vector<1x1x1xf32>,
    %slice3A_209 = vector.extract_strided_slice %broadcast_in_dim3A_194 {offsets = [0, 0], sizes = [1, 1], strides = [1, 1]} : vector<1x128xf32> to vector<1x1xf32>
    %swap3A_210 = arith.constant 3 : index
    %swap3A_211 = arith.constant 0 : index
    %swap3A_212 = arith.constant 0 : index
    %swap3A_213 = vector.load %arg6[%swap3A_210, %swap3A_211, %swap3A_212] : memref<4x2048x1xf32, #tpu.memory_space<vmem>>, vector<1x1x1xf32>
    %swap3A_214 = vector.shape_cast %swap3A_213 : vector<1x1x1xf32> to vector<1x1xf32>
    %swap3A_215 = vector.shape_cast %slice3A_209 : vector<1x1xf32> to vector<1x1x1xf32>
    tpu.vector_store %arg6[%swap3A_210, %swap3A_211, %swap3A_212], %swap3A_215 {strides = array<i32>} : memref<4x2048x1xf32, #tpu.memory_space<vmem>>, vector<1x1x1xf32>,
    %iota3A = tpu.iota {dimensions = array<i32: 0>} : vector<64x128xi32>
    %convert_element_type3A = arith.sitofp %iota3A : vector<64x128xi32> to vector<64x128xf32>
    %iota3A_216 = tpu.iota {dimensions = array<i32: 1>} : vector<1x128xi32>
    %convert_element_type3A_217 = arith.sitofp %iota3A_216 : vector<1x128xi32> to vector<1x128xf32>
    %scan3A = arith.constant 1 : i32
    %scan3A_218 = arith.constant 2047 : i32
    %scan3A_219 = arith.addi %scan3A, %scan3A_218 : i32
    %scan3A_220 = arith.constant 1 : i32
    %scan3A_221:12 = scf.for %scan3A_223 = %scan3A to %scan3A_219 step %scan3A_220 iter_args(%scan3A_224 = %broadcast_in_dim3A_16, %scan3A_225 = %broadcast_in_dim3A_23, %scan3A_226 = %broadcast_in_dim3A_30, %scan3A_227 = %broadcast_in_dim3A_70, %scan3A_228 = %broadcast_in_dim3A_77, %scan3A_229 = %broadcast_in_dim3A_84, %scan3A_230 = %broadcast_in_dim3A_125, %scan3A_231 = %broadcast_in_dim3A_132, %scan3A_232 = %broadcast_in_dim3A_139, %scan3A_233 = %broadcast_in_dim3A_180, %scan3A_234 = %broadcast_in_dim3A_187, %scan3A_235 = %broadcast_in_dim3A_194) -> (vector<1x128xf32>, vector<1x128xf32>, vector<1x128xf32>, vector<1x128xf32>, vector<1x128xf32>, vector<1x128xf32>, vector<1x128xf32>, vector<1x128xf32>, vector<1x128xf32>, vector<1x128xf32>, vector<1x128xf32>, vector<1x128xf32>)  : i32 {
      %get3A_236 = arith.constant 0 : index
      %get3A_237 = arith.constant 0 : index
      %get3A_238 = arith.constant 0 : index
      %get3A_239 = vector.load %arg0[%get3A_236, %get3A_237, %get3A_238] : memref<4x64x128xf32, #tpu.memory_space<vmem>>, vector<1x64x128xf32>
      %get3A_240 = vector.shape_cast %get3A_239 : vector<1x64x128xf32> to vector<64x128xf32>
      %get3A_241 = arith.constant 0 : index
      %get3A_242 = arith.constant 0 : index
      %get3A_243 = arith.constant 0 : index
      %get3A_244 = vector.load %arg1[%get3A_241, %get3A_242, %get3A_243] : memref<4x64x128xf32, #tpu.memory_space<vmem>>, vector<1x64x128xf32>
      %get3A_245 = vector.shape_cast %get3A_244 : vector<1x64x128xf32> to vector<64x128xf32>
      %get3A_246 = arith.constant 0 : index
      %get3A_247 = arith.constant 0 : index
      %get3A_248 = arith.constant 0 : index
      %get3A_249 = vector.load %arg2[%get3A_246, %get3A_247, %get3A_248] : memref<4x64x128xf32, #tpu.memory_space<vmem>>, vector<1x64x128xf32>
      %get3A_250 = vector.shape_cast %get3A_249 : vector<1x64x128xf32> to vector<64x128xf32>
      %sub3A = vector.broadcast %scan3A_224 : vector<1x128xf32> to vector<64x128xf32>
      %sub3A_251 = arith.subf %get3A_240, %sub3A : vector<64x128xf32>
      %sub3A_252 = vector.broadcast %scan3A_225 : vector<1x128xf32> to vector<64x128xf32>
      %sub3A_253 = arith.subf %get3A_245, %sub3A_252 : vector<64x128xf32>
      %sub3A_254 = vector.broadcast %scan3A_226 : vector<1x128xf32> to vector<64x128xf32>
      %sub3A_255 = arith.subf %get3A_250, %sub3A_254 : vector<64x128xf32>
      %mul3A = arith.mulf %sub3A_251, %sub3A_251 : vector<64x128xf32>
      %mul3A_256 = arith.mulf %sub3A_253, %sub3A_253 : vector<64x128xf32>
      %add3A = arith.addf %mul3A, %mul3A_256 : vector<64x128xf32>
      %mul3A_257 = arith.mulf %sub3A_255, %sub3A_255 : vector<64x128xf32>
      %add3A_258 = arith.addf %add3A, %mul3A_257 : vector<64x128xf32>
      %get3A_259 = arith.constant 0 : index
      %get3A_260 = arith.constant 0 : index
      %get3A_261 = vector.load %arg7[%get3A_259, %get3A_260] : memref<64x128xf32, #tpu.memory_space<vmem>>, vector<64x128xf32>
      %min3A = arith.minimumf %get3A_261, %add3A_258 : vector<64x128xf32>
      %swap3A_262 = arith.constant 0 : index
      %swap3A_263 = arith.constant 0 : index
      %swap3A_264 = vector.load %arg7[%swap3A_262, %swap3A_263] : memref<64x128xf32, #tpu.memory_space<vmem>>, vector<64x128xf32>
      tpu.vector_store %arg7[%swap3A_262, %swap3A_263], %min3A {strides = array<i32>} : memref<64x128xf32, #tpu.memory_space<vmem>>, vector<64x128xf32>,
      %reduce_max3A = arith.constant dense<0xFF800000> : vector<128xf32>
      %reduce_max3A_265 = vector.multi_reduction <maximumf>, %min3A, %reduce_max3A [0] : vector<64x128xf32> to vector<128xf32>
      %broadcast_in_dim3A_266 = vector.shape_cast %reduce_max3A_265 : vector<128xf32> to vector<1x128xf32>
      %eq3A = vector.broadcast %broadcast_in_dim3A_266 : vector<1x128xf32> to vector<64x128xf32>
      %eq3A_267 = arith.cmpf oeq, %min3A, %eq3A : vector<64x128xf32>
      %jit3A = arith.constant 0x7F800000 : f32
      %broadcast_in_dim3A_268 = vector.broadcast %jit3A : f32 to vector<64x128xf32>
      %select_n3A = arith.select %eq3A_267, %convert_element_type3A, %broadcast_in_dim3A_268 : vector<64x128xi1>, vector<64x128xf32>
      %reduce_min3A = arith.constant dense<0x7F800000> : vector<128xf32>
      %reduce_min3A_269 = vector.multi_reduction <minimumf>, %select_n3A, %reduce_min3A [0] : vector<64x128xf32> to vector<128xf32>
      %broadcast_in_dim3A_270 = vector.shape_cast %reduce_min3A_269 : vector<128xf32> to vector<1x128xf32>
      %eq3A_271 = vector.broadcast %broadcast_in_dim3A_270 : vector<1x128xf32> to vector<64x128xf32>
      %eq3A_272 = arith.cmpf oeq, %convert_element_type3A, %eq3A_271 : vector<64x128xf32>
      %mul3A_273 = arith.constant 1.280000e+02 : f32
      %mul3A_274 = vector.broadcast %mul3A_273 : f32 to vector<1x128xf32>
      %mul3A_275 = arith.mulf %broadcast_in_dim3A_270, %mul3A_274 : vector<1x128xf32>
      %add3A_276 = arith.addf %mul3A_275, %convert_element_type3A_217 : vector<1x128xf32>
      %jit3A_277 = arith.constant 0xFF800000 : f32
      %broadcast_in_dim3A_278 = vector.broadcast %jit3A_277 : f32 to vector<64x128xf32>
      %select_n3A_279 = arith.select %eq3A_272, %get3A_240, %broadcast_in_dim3A_278 : vector<64x128xi1>, vector<64x128xf32>
      %reduce_max3A_280 = arith.constant dense<0xFF800000> : vector<128xf32>
      %reduce_max3A_281 = vector.multi_reduction <maximumf>, %select_n3A_279, %reduce_max3A_280 [0] : vector<64x128xf32> to vector<128xf32>
      %broadcast_in_dim3A_282 = vector.shape_cast %reduce_max3A_281 : vector<128xf32> to vector<1x128xf32>
      %jit3A_283 = arith.constant 0xFF800000 : f32
      %broadcast_in_dim3A_284 = vector.broadcast %jit3A_283 : f32 to vector<64x128xf32>
      %select_n3A_285 = arith.select %eq3A_272, %get3A_245, %broadcast_in_dim3A_284 : vector<64x128xi1>, vector<64x128xf32>
      %reduce_max3A_286 = arith.constant dense<0xFF800000> : vector<128xf32>
      %reduce_max3A_287 = vector.multi_reduction <maximumf>, %select_n3A_285, %reduce_max3A_286 [0] : vector<64x128xf32> to vector<128xf32>
      %broadcast_in_dim3A_288 = vector.shape_cast %reduce_max3A_287 : vector<128xf32> to vector<1x128xf32>
      %jit3A_289 = arith.constant 0xFF800000 : f32
      %broadcast_in_dim3A_290 = vector.broadcast %jit3A_289 : f32 to vector<64x128xf32>
      %select_n3A_291 = arith.select %eq3A_272, %get3A_250, %broadcast_in_dim3A_290 : vector<64x128xi1>, vector<64x128xf32>
      %reduce_max3A_292 = arith.constant dense<0xFF800000> : vector<128xf32>
      %reduce_max3A_293 = vector.multi_reduction <maximumf>, %select_n3A_291, %reduce_max3A_292 [0] : vector<64x128xf32> to vector<128xf32>
      %broadcast_in_dim3A_294 = vector.shape_cast %reduce_max3A_293 : vector<128xf32> to vector<1x128xf32>
      %get3A_295 = arith.constant 1 : index
      %get3A_296 = arith.constant 0 : index
      %get3A_297 = arith.constant 0 : index
      %get3A_298 = vector.load %arg0[%get3A_295, %get3A_296, %get3A_297] : memref<4x64x128xf32, #tpu.memory_space<vmem>>, vector<1x64x128xf32>
      %get3A_299 = vector.shape_cast %get3A_298 : vector<1x64x128xf32> to vector<64x128xf32>
      %get3A_300 = arith.constant 1 : index
      %get3A_301 = arith.constant 0 : index
      %get3A_302 = arith.constant 0 : index
      %get3A_303 = vector.load %arg1[%get3A_300, %get3A_301, %get3A_302] : memref<4x64x128xf32, #tpu.memory_space<vmem>>, vector<1x64x128xf32>
      %get3A_304 = vector.shape_cast %get3A_303 : vector<1x64x128xf32> to vector<64x128xf32>
      %get3A_305 = arith.constant 1 : index
      %get3A_306 = arith.constant 0 : index
      %get3A_307 = arith.constant 0 : index
      %get3A_308 = vector.load %arg2[%get3A_305, %get3A_306, %get3A_307] : memref<4x64x128xf32, #tpu.memory_space<vmem>>, vector<1x64x128xf32>
      %get3A_309 = vector.shape_cast %get3A_308 : vector<1x64x128xf32> to vector<64x128xf32>
      %sub3A_310 = vector.broadcast %scan3A_227 : vector<1x128xf32> to vector<64x128xf32>
      %sub3A_311 = arith.subf %get3A_299, %sub3A_310 : vector<64x128xf32>
      %sub3A_312 = vector.broadcast %scan3A_228 : vector<1x128xf32> to vector<64x128xf32>
      %sub3A_313 = arith.subf %get3A_304, %sub3A_312 : vector<64x128xf32>
      %sub3A_314 = vector.broadcast %scan3A_229 : vector<1x128xf32> to vector<64x128xf32>
      %sub3A_315 = arith.subf %get3A_309, %sub3A_314 : vector<64x128xf32>
      %mul3A_316 = arith.mulf %sub3A_311, %sub3A_311 : vector<64x128xf32>
      %mul3A_317 = arith.mulf %sub3A_313, %sub3A_313 : vector<64x128xf32>
      %add3A_318 = arith.addf %mul3A_316, %mul3A_317 : vector<64x128xf32>
      %mul3A_319 = arith.mulf %sub3A_315, %sub3A_315 : vector<64x128xf32>
      %add3A_320 = arith.addf %add3A_318, %mul3A_319 : vector<64x128xf32>
      %get3A_321 = arith.constant 0 : index
      %get3A_322 = arith.constant 0 : index
      %get3A_323 = vector.load %arg8[%get3A_321, %get3A_322] : memref<64x128xf32, #tpu.memory_space<vmem>>, vector<64x128xf32>
      %min3A_324 = arith.minimumf %get3A_323, %add3A_320 : vector<64x128xf32>
      %swap3A_325 = arith.constant 0 : index
      %swap3A_326 = arith.constant 0 : index
      %swap3A_327 = vector.load %arg8[%swap3A_325, %swap3A_326] : memref<64x128xf32, #tpu.memory_space<vmem>>, vector<64x128xf32>
      tpu.vector_store %arg8[%swap3A_325, %swap3A_326], %min3A_324 {strides = array<i32>} : memref<64x128xf32, #tpu.memory_space<vmem>>, vector<64x128xf32>,
      %reduce_max3A_328 = arith.constant dense<0xFF800000> : vector<128xf32>
      %reduce_max3A_329 = vector.multi_reduction <maximumf>, %min3A_324, %reduce_max3A_328 [0] : vector<64x128xf32> to vector<128xf32>
      %broadcast_in_dim3A_330 = vector.shape_cast %reduce_max3A_329 : vector<128xf32> to vector<1x128xf32>
      %eq3A_331 = vector.broadcast %broadcast_in_dim3A_330 : vector<1x128xf32> to vector<64x128xf32>
      %eq3A_332 = arith.cmpf oeq, %min3A_324, %eq3A_331 : vector<64x128xf32>
      %jit3A_333 = arith.constant 0x7F800000 : f32
      %broadcast_in_dim3A_334 = vector.broadcast %jit3A_333 : f32 to vector<64x128xf32>
      %select_n3A_335 = arith.select %eq3A_332, %convert_element_type3A, %broadcast_in_dim3A_334 : vector<64x128xi1>, vector<64x128xf32>
      %reduce_min3A_336 = arith.constant dense<0x7F800000> : vector<128xf32>
      %reduce_min3A_337 = vector.multi_reduction <minimumf>, %select_n3A_335, %reduce_min3A_336 [0] : vector<64x128xf32> to vector<128xf32>
      %broadcast_in_dim3A_338 = vector.shape_cast %reduce_min3A_337 : vector<128xf32> to vector<1x128xf32>
      %eq3A_339 = vector.broadcast %broadcast_in_dim3A_338 : vector<1x128xf32> to vector<64x128xf32>
      %eq3A_340 = arith.cmpf oeq, %convert_element_type3A, %eq3A_339 : vector<64x128xf32>
      %mul3A_341 = arith.constant 1.280000e+02 : f32
      %mul3A_342 = vector.broadcast %mul3A_341 : f32 to vector<1x128xf32>
      %mul3A_343 = arith.mulf %broadcast_in_dim3A_338, %mul3A_342 : vector<1x128xf32>
      %add3A_344 = arith.addf %mul3A_343, %convert_element_type3A_217 : vector<1x128xf32>
      %jit3A_345 = arith.constant 0xFF800000 : f32
      %broadcast_in_dim3A_346 = vector.broadcast %jit3A_345 : f32 to vector<64x128xf32>
      %select_n3A_347 = arith.select %eq3A_340, %get3A_299, %broadcast_in_dim3A_346 : vector<64x128xi1>, vector<64x128xf32>
      %reduce_max3A_348 = arith.constant dense<0xFF800000> : vector<128xf32>
      %reduce_max3A_349 = vector.multi_reduction <maximumf>, %select_n3A_347, %reduce_max3A_348 [0] : vector<64x128xf32> to vector<128xf32>
      %broadcast_in_dim3A_350 = vector.shape_cast %reduce_max3A_349 : vector<128xf32> to vector<1x128xf32>
      %jit3A_351 = arith.constant 0xFF800000 : f32
      %broadcast_in_dim3A_352 = vector.broadcast %jit3A_351 : f32 to vector<64x128xf32>
      %select_n3A_353 = arith.select %eq3A_340, %get3A_304, %broadcast_in_dim3A_352 : vector<64x128xi1>, vector<64x128xf32>
      %reduce_max3A_354 = arith.constant dense<0xFF800000> : vector<128xf32>
      %reduce_max3A_355 = vector.multi_reduction <maximumf>, %select_n3A_353, %reduce_max3A_354 [0] : vector<64x128xf32> to vector<128xf32>
      %broadcast_in_dim3A_356 = vector.shape_cast %reduce_max3A_355 : vector<128xf32> to vector<1x128xf32>
      %jit3A_357 = arith.constant 0xFF800000 : f32
      %broadcast_in_dim3A_358 = vector.broadcast %jit3A_357 : f32 to vector<64x128xf32>
      %select_n3A_359 = arith.select %eq3A_340, %get3A_309, %broadcast_in_dim3A_358 : vector<64x128xi1>, vector<64x128xf32>
      %reduce_max3A_360 = arith.constant dense<0xFF800000> : vector<128xf32>
      %reduce_max3A_361 = vector.multi_reduction <maximumf>, %select_n3A_359, %reduce_max3A_360 [0] : vector<64x128xf32> to vector<128xf32>
      %broadcast_in_dim3A_362 = vector.shape_cast %reduce_max3A_361 : vector<128xf32> to vector<1x128xf32>
      %get3A_363 = arith.constant 2 : index
      %get3A_364 = arith.constant 0 : index
      %get3A_365 = arith.constant 0 : index
      %get3A_366 = vector.load %arg0[%get3A_363, %get3A_364, %get3A_365] : memref<4x64x128xf32, #tpu.memory_space<vmem>>, vector<1x64x128xf32>
      %get3A_367 = vector.shape_cast %get3A_366 : vector<1x64x128xf32> to vector<64x128xf32>
      %get3A_368 = arith.constant 2 : index
      %get3A_369 = arith.constant 0 : index
      %get3A_370 = arith.constant 0 : index
      %get3A_371 = vector.load %arg1[%get3A_368, %get3A_369, %get3A_370] : memref<4x64x128xf32, #tpu.memory_space<vmem>>, vector<1x64x128xf32>
      %get3A_372 = vector.shape_cast %get3A_371 : vector<1x64x128xf32> to vector<64x128xf32>
      %get3A_373 = arith.constant 2 : index
      %get3A_374 = arith.constant 0 : index
      %get3A_375 = arith.constant 0 : index
      %get3A_376 = vector.load %arg2[%get3A_373, %get3A_374, %get3A_375] : memref<4x64x128xf32, #tpu.memory_space<vmem>>, vector<1x64x128xf32>
      %get3A_377 = vector.shape_cast %get3A_376 : vector<1x64x128xf32> to vector<64x128xf32>
      %sub3A_378 = vector.broadcast %scan3A_230 : vector<1x128xf32> to vector<64x128xf32>
      %sub3A_379 = arith.subf %get3A_367, %sub3A_378 : vector<64x128xf32>
      %sub3A_380 = vector.broadcast %scan3A_231 : vector<1x128xf32> to vector<64x128xf32>
      %sub3A_381 = arith.subf %get3A_372, %sub3A_380 : vector<64x128xf32>
      %sub3A_382 = vector.broadcast %scan3A_232 : vector<1x128xf32> to vector<64x128xf32>
      %sub3A_383 = arith.subf %get3A_377, %sub3A_382 : vector<64x128xf32>
      %mul3A_384 = arith.mulf %sub3A_379, %sub3A_379 : vector<64x128xf32>
      %mul3A_385 = arith.mulf %sub3A_381, %sub3A_381 : vector<64x128xf32>
      %add3A_386 = arith.addf %mul3A_384, %mul3A_385 : vector<64x128xf32>
      %mul3A_387 = arith.mulf %sub3A_383, %sub3A_383 : vector<64x128xf32>
      %add3A_388 = arith.addf %add3A_386, %mul3A_387 : vector<64x128xf32>
      %get3A_389 = arith.constant 0 : index
      %get3A_390 = arith.constant 0 : index
      %get3A_391 = vector.load %arg9[%get3A_389, %get3A_390] : memref<64x128xf32, #tpu.memory_space<vmem>>, vector<64x128xf32>
      %min3A_392 = arith.minimumf %get3A_391, %add3A_388 : vector<64x128xf32>
      %swap3A_393 = arith.constant 0 : index
      %swap3A_394 = arith.constant 0 : index
      %swap3A_395 = vector.load %arg9[%swap3A_393, %swap3A_394] : memref<64x128xf32, #tpu.memory_space<vmem>>, vector<64x128xf32>
      tpu.vector_store %arg9[%swap3A_393, %swap3A_394], %min3A_392 {strides = array<i32>} : memref<64x128xf32, #tpu.memory_space<vmem>>, vector<64x128xf32>,
      %reduce_max3A_396 = arith.constant dense<0xFF800000> : vector<128xf32>
      %reduce_max3A_397 = vector.multi_reduction <maximumf>, %min3A_392, %reduce_max3A_396 [0] : vector<64x128xf32> to vector<128xf32>
      %broadcast_in_dim3A_398 = vector.shape_cast %reduce_max3A_397 : vector<128xf32> to vector<1x128xf32>
      %eq3A_399 = vector.broadcast %broadcast_in_dim3A_398 : vector<1x128xf32> to vector<64x128xf32>
      %eq3A_400 = arith.cmpf oeq, %min3A_392, %eq3A_399 : vector<64x128xf32>
      %jit3A_401 = arith.constant 0x7F800000 : f32
      %broadcast_in_dim3A_402 = vector.broadcast %jit3A_401 : f32 to vector<64x128xf32>
      %select_n3A_403 = arith.select %eq3A_400, %convert_element_type3A, %broadcast_in_dim3A_402 : vector<64x128xi1>, vector<64x128xf32>
      %reduce_min3A_404 = arith.constant dense<0x7F800000> : vector<128xf32>
      %reduce_min3A_405 = vector.multi_reduction <minimumf>, %select_n3A_403, %reduce_min3A_404 [0] : vector<64x128xf32> to vector<128xf32>
      %broadcast_in_dim3A_406 = vector.shape_cast %reduce_min3A_405 : vector<128xf32> to vector<1x128xf32>
      %eq3A_407 = vector.broadcast %broadcast_in_dim3A_406 : vector<1x128xf32> to vector<64x128xf32>
      %eq3A_408 = arith.cmpf oeq, %convert_element_type3A, %eq3A_407 : vector<64x128xf32>
      %mul3A_409 = arith.constant 1.280000e+02 : f32
      %mul3A_410 = vector.broadcast %mul3A_409 : f32 to vector<1x128xf32>
      %mul3A_411 = arith.mulf %broadcast_in_dim3A_406, %mul3A_410 : vector<1x128xf32>
      %add3A_412 = arith.addf %mul3A_411, %convert_element_type3A_217 : vector<1x128xf32>
      %jit3A_413 = arith.constant 0xFF800000 : f32
      %broadcast_in_dim3A_414 = vector.broadcast %jit3A_413 : f32 to vector<64x128xf32>
      %select_n3A_415 = arith.select %eq3A_408, %get3A_367, %broadcast_in_dim3A_414 : vector<64x128xi1>, vector<64x128xf32>
      %reduce_max3A_416 = arith.constant dense<0xFF800000> : vector<128xf32>
      %reduce_max3A_417 = vector.multi_reduction <maximumf>, %select_n3A_415, %reduce_max3A_416 [0] : vector<64x128xf32> to vector<128xf32>
      %broadcast_in_dim3A_418 = vector.shape_cast %reduce_max3A_417 : vector<128xf32> to vector<1x128xf32>
      %jit3A_419 = arith.constant 0xFF800000 : f32
      %broadcast_in_dim3A_420 = vector.broadcast %jit3A_419 : f32 to vector<64x128xf32>
      %select_n3A_421 = arith.select %eq3A_408, %get3A_372, %broadcast_in_dim3A_420 : vector<64x128xi1>, vector<64x128xf32>
      %reduce_max3A_422 = arith.constant dense<0xFF800000> : vector<128xf32>
      %reduce_max3A_423 = vector.multi_reduction <maximumf>, %select_n3A_421, %reduce_max3A_422 [0] : vector<64x128xf32> to vector<128xf32>
      %broadcast_in_dim3A_424 = vector.shape_cast %reduce_max3A_423 : vector<128xf32> to vector<1x128xf32>
      %jit3A_425 = arith.constant 0xFF800000 : f32
      %broadcast_in_dim3A_426 = vector.broadcast %jit3A_425 : f32 to vector<64x128xf32>
      %select_n3A_427 = arith.select %eq3A_408, %get3A_377, %broadcast_in_dim3A_426 : vector<64x128xi1>, vector<64x128xf32>
      %reduce_max3A_428 = arith.constant dense<0xFF800000> : vector<128xf32>
      %reduce_max3A_429 = vector.multi_reduction <maximumf>, %select_n3A_427, %reduce_max3A_428 [0] : vector<64x128xf32> to vector<128xf32>
      %broadcast_in_dim3A_430 = vector.shape_cast %reduce_max3A_429 : vector<128xf32> to vector<1x128xf32>
      %get3A_431 = arith.constant 3 : index
      %get3A_432 = arith.constant 0 : index
      %get3A_433 = arith.constant 0 : index
      %get3A_434 = vector.load %arg0[%get3A_431, %get3A_432, %get3A_433] : memref<4x64x128xf32, #tpu.memory_space<vmem>>, vector<1x64x128xf32>
      %get3A_435 = vector.shape_cast %get3A_434 : vector<1x64x128xf32> to vector<64x128xf32>
      %get3A_436 = arith.constant 3 : index
      %get3A_437 = arith.constant 0 : index
      %get3A_438 = arith.constant 0 : index
      %get3A_439 = vector.load %arg1[%get3A_436, %get3A_437, %get3A_438] : memref<4x64x128xf32, #tpu.memory_space<vmem>>, vector<1x64x128xf32>
      %get3A_440 = vector.shape_cast %get3A_439 : vector<1x64x128xf32> to vector<64x128xf32>
      %get3A_441 = arith.constant 3 : index
      %get3A_442 = arith.constant 0 : index
      %get3A_443 = arith.constant 0 : index
      %get3A_444 = vector.load %arg2[%get3A_441, %get3A_442, %get3A_443] : memref<4x64x128xf32, #tpu.memory_space<vmem>>, vector<1x64x128xf32>
      %get3A_445 = vector.shape_cast %get3A_444 : vector<1x64x128xf32> to vector<64x128xf32>
      %sub3A_446 = vector.broadcast %scan3A_233 : vector<1x128xf32> to vector<64x128xf32>
      %sub3A_447 = arith.subf %get3A_435, %sub3A_446 : vector<64x128xf32>
      %sub3A_448 = vector.broadcast %scan3A_234 : vector<1x128xf32> to vector<64x128xf32>
      %sub3A_449 = arith.subf %get3A_440, %sub3A_448 : vector<64x128xf32>
      %sub3A_450 = vector.broadcast %scan3A_235 : vector<1x128xf32> to vector<64x128xf32>
      %sub3A_451 = arith.subf %get3A_445, %sub3A_450 : vector<64x128xf32>
      %mul3A_452 = arith.mulf %sub3A_447, %sub3A_447 : vector<64x128xf32>
      %mul3A_453 = arith.mulf %sub3A_449, %sub3A_449 : vector<64x128xf32>
      %add3A_454 = arith.addf %mul3A_452, %mul3A_453 : vector<64x128xf32>
      %mul3A_455 = arith.mulf %sub3A_451, %sub3A_451 : vector<64x128xf32>
      %add3A_456 = arith.addf %add3A_454, %mul3A_455 : vector<64x128xf32>
      %get3A_457 = arith.constant 0 : index
      %get3A_458 = arith.constant 0 : index
      %get3A_459 = vector.load %arg10[%get3A_457, %get3A_458] : memref<64x128xf32, #tpu.memory_space<vmem>>, vector<64x128xf32>
      %min3A_460 = arith.minimumf %get3A_459, %add3A_456 : vector<64x128xf32>
      %swap3A_461 = arith.constant 0 : index
      %swap3A_462 = arith.constant 0 : index
      %swap3A_463 = vector.load %arg10[%swap3A_461, %swap3A_462] : memref<64x128xf32, #tpu.memory_space<vmem>>, vector<64x128xf32>
      tpu.vector_store %arg10[%swap3A_461, %swap3A_462], %min3A_460 {strides = array<i32>} : memref<64x128xf32, #tpu.memory_space<vmem>>, vector<64x128xf32>,
      %reduce_max3A_464 = arith.constant dense<0xFF800000> : vector<128xf32>
      %reduce_max3A_465 = vector.multi_reduction <maximumf>, %min3A_460, %reduce_max3A_464 [0] : vector<64x128xf32> to vector<128xf32>
      %broadcast_in_dim3A_466 = vector.shape_cast %reduce_max3A_465 : vector<128xf32> to vector<1x128xf32>
      %eq3A_467 = vector.broadcast %broadcast_in_dim3A_466 : vector<1x128xf32> to vector<64x128xf32>
      %eq3A_468 = arith.cmpf oeq, %min3A_460, %eq3A_467 : vector<64x128xf32>
      %jit3A_469 = arith.constant 0x7F800000 : f32
      %broadcast_in_dim3A_470 = vector.broadcast %jit3A_469 : f32 to vector<64x128xf32>
      %select_n3A_471 = arith.select %eq3A_468, %convert_element_type3A, %broadcast_in_dim3A_470 : vector<64x128xi1>, vector<64x128xf32>
      %reduce_min3A_472 = arith.constant dense<0x7F800000> : vector<128xf32>
      %reduce_min3A_473 = vector.multi_reduction <minimumf>, %select_n3A_471, %reduce_min3A_472 [0] : vector<64x128xf32> to vector<128xf32>
      %broadcast_in_dim3A_474 = vector.shape_cast %reduce_min3A_473 : vector<128xf32> to vector<1x128xf32>
      %eq3A_475 = vector.broadcast %broadcast_in_dim3A_474 : vector<1x128xf32> to vector<64x128xf32>
      %eq3A_476 = arith.cmpf oeq, %convert_element_type3A, %eq3A_475 : vector<64x128xf32>
      %mul3A_477 = arith.constant 1.280000e+02 : f32
      %mul3A_478 = vector.broadcast %mul3A_477 : f32 to vector<1x128xf32>
      %mul3A_479 = arith.mulf %broadcast_in_dim3A_474, %mul3A_478 : vector<1x128xf32>
      %add3A_480 = arith.addf %mul3A_479, %convert_element_type3A_217 : vector<1x128xf32>
      %jit3A_481 = arith.constant 0xFF800000 : f32
      %broadcast_in_dim3A_482 = vector.broadcast %jit3A_481 : f32 to vector<64x128xf32>
      %select_n3A_483 = arith.select %eq3A_476, %get3A_435, %broadcast_in_dim3A_482 : vector<64x128xi1>, vector<64x128xf32>
      %reduce_max3A_484 = arith.constant dense<0xFF800000> : vector<128xf32>
      %reduce_max3A_485 = vector.multi_reduction <maximumf>, %select_n3A_483, %reduce_max3A_484 [0] : vector<64x128xf32> to vector<128xf32>
      %broadcast_in_dim3A_486 = vector.shape_cast %reduce_max3A_485 : vector<128xf32> to vector<1x128xf32>
      %jit3A_487 = arith.constant 0xFF800000 : f32
      %broadcast_in_dim3A_488 = vector.broadcast %jit3A_487 : f32 to vector<64x128xf32>
      %select_n3A_489 = arith.select %eq3A_476, %get3A_440, %broadcast_in_dim3A_488 : vector<64x128xi1>, vector<64x128xf32>
      %reduce_max3A_490 = arith.constant dense<0xFF800000> : vector<128xf32>
      %reduce_max3A_491 = vector.multi_reduction <maximumf>, %select_n3A_489, %reduce_max3A_490 [0] : vector<64x128xf32> to vector<128xf32>
      %broadcast_in_dim3A_492 = vector.shape_cast %reduce_max3A_491 : vector<128xf32> to vector<1x128xf32>
      %jit3A_493 = arith.constant 0xFF800000 : f32
      %broadcast_in_dim3A_494 = vector.broadcast %jit3A_493 : f32 to vector<64x128xf32>
      %select_n3A_495 = arith.select %eq3A_476, %get3A_445, %broadcast_in_dim3A_494 : vector<64x128xi1>, vector<64x128xf32>
      %reduce_max3A_496 = arith.constant dense<0xFF800000> : vector<128xf32>
      %reduce_max3A_497 = vector.multi_reduction <maximumf>, %select_n3A_495, %reduce_max3A_496 [0] : vector<64x128xf32> to vector<128xf32>
      %broadcast_in_dim3A_498 = vector.shape_cast %reduce_max3A_497 : vector<128xf32> to vector<1x128xf32>
      %concatenate3A = tpu.concatenate %broadcast_in_dim3A_266, %broadcast_in_dim3A_330, %broadcast_in_dim3A_398, %broadcast_in_dim3A_466 in 0 : vector<1x128xf32>, vector<1x128xf32>, vector<1x128xf32>, vector<1x128xf32> -> vector<4x128xf32>
      %concatenate3A_499 = tpu.concatenate %add3A_276, %add3A_344, %add3A_412, %add3A_480 in 0 : vector<1x128xf32>, vector<1x128xf32>, vector<1x128xf32>, vector<1x128xf32> -> vector<4x128xf32>
      %reduce_max3A_500 = arith.constant dense<0xFF800000> : vector<4xf32>
      %reduce_max3A_501 = vector.multi_reduction <maximumf>, %concatenate3A, %reduce_max3A_500 [1] : vector<4x128xf32> to vector<4xf32>
      %broadcast_in_dim3A_502 = vector.shape_cast %reduce_max3A_501 : vector<4xf32> to vector<4x1xf32>
      %broadcast_in_dim3A_503 = vector.shape_cast %broadcast_in_dim3A_502 : vector<4x1xf32> to vector<4x1xf32>
      %broadcast_in_dim3A_504 = vector.broadcast %broadcast_in_dim3A_503 : vector<4x1xf32> to vector<4x128xf32>
      %eq3A_505 = arith.cmpf oeq, %concatenate3A, %broadcast_in_dim3A_504 : vector<4x128xf32>
      %jit3A_506 = arith.constant 0x7F800000 : f32
      %broadcast_in_dim3A_507 = vector.broadcast %jit3A_506 : f32 to vector<4x128xf32>
      %select_n3A_508 = arith.select %eq3A_505, %concatenate3A_499, %broadcast_in_dim3A_507 : vector<4x128xi1>, vector<4x128xf32>
      %reduce_min3A_509 = arith.constant dense<0x7F800000> : vector<4xf32>
      %reduce_min3A_510 = vector.multi_reduction <minimumf>, %select_n3A_508, %reduce_min3A_509 [1] : vector<4x128xf32> to vector<4xf32>
      %broadcast_in_dim3A_511 = vector.shape_cast %reduce_min3A_510 : vector<4xf32> to vector<4x1xf32>
      %broadcast_in_dim3A_512 = vector.shape_cast %broadcast_in_dim3A_511 : vector<4x1xf32> to vector<4x1xf32>
      %broadcast_in_dim3A_513 = vector.broadcast %broadcast_in_dim3A_512 : vector<4x1xf32> to vector<4x128xf32>
      %eq3A_514 = arith.cmpf oeq, %concatenate3A_499, %broadcast_in_dim3A_513 : vector<4x128xf32>
      %concatenate3A_515 = tpu.concatenate %broadcast_in_dim3A_282, %broadcast_in_dim3A_288, %broadcast_in_dim3A_294, %broadcast_in_dim3A_350, %broadcast_in_dim3A_356, %broadcast_in_dim3A_362, %broadcast_in_dim3A_418, %broadcast_in_dim3A_424, %broadcast_in_dim3A_430, %broadcast_in_dim3A_486, %broadcast_in_dim3A_492, %broadcast_in_dim3A_498 in 0 : vector<1x128xf32>, vector<1x128xf32>, vector<1x128xf32>, vector<1x128xf32>, vector<1x128xf32>, vector<1x128xf32>, vector<1x128xf32>, vector<1x128xf32>, vector<1x128xf32>, vector<1x128xf32>, vector<1x128xf32>, vector<1x128xf32> -> vector<12x128xf32>
      %slice3A_516 = vector.extract_strided_slice %eq3A_514 {offsets = [0, 0], sizes = [1, 128], strides = [1, 1]} : vector<4x128xi1> to vector<1x128xi1>
      %slice3A_517 = vector.extract_strided_slice %concatenate3A_515 {offsets = [0, 0], sizes = [1, 128], strides = [1, 1]} : vector<12x128xf32> to vector<1x128xf32>
      %jit3A_518 = arith.constant 0xFF800000 : f32
      %broadcast_in_dim3A_519 = vector.broadcast %jit3A_518 : f32 to vector<1x128xf32>
      %select_n3A_520 = arith.select %slice3A_516, %slice3A_517, %broadcast_in_dim3A_519 : vector<1x128xi1>, vector<1x128xf32>
      %reduce_max3A_521 = arith.constant dense<0xFF800000> : vector<1xf32>
      %reduce_max3A_522 = vector.multi_reduction <maximumf>, %select_n3A_520, %reduce_max3A_521 [1] : vector<1x128xf32> to vector<1xf32>
      %broadcast_in_dim3A_523 = vector.shape_cast %reduce_max3A_522 : vector<1xf32> to vector<1x1xf32>
      %slice3A_524 = vector.extract_strided_slice %concatenate3A_515 {offsets = [1, 0], sizes = [1, 128], strides = [1, 1]} : vector<12x128xf32> to vector<1x128xf32>
      %jit3A_525 = arith.constant 0xFF800000 : f32
      %broadcast_in_dim3A_526 = vector.broadcast %jit3A_525 : f32 to vector<1x128xf32>
      %select_n3A_527 = arith.select %slice3A_516, %slice3A_524, %broadcast_in_dim3A_526 : vector<1x128xi1>, vector<1x128xf32>
      %reduce_max3A_528 = arith.constant dense<0xFF800000> : vector<1xf32>
      %reduce_max3A_529 = vector.multi_reduction <maximumf>, %select_n3A_527, %reduce_max3A_528 [1] : vector<1x128xf32> to vector<1xf32>
      %broadcast_in_dim3A_530 = vector.shape_cast %reduce_max3A_529 : vector<1xf32> to vector<1x1xf32>
      %slice3A_531 = vector.extract_strided_slice %concatenate3A_515 {offsets = [2, 0], sizes = [1, 128], strides = [1, 1]} : vector<12x128xf32> to vector<1x128xf32>
      %jit3A_532 = arith.constant 0xFF800000 : f32
      %broadcast_in_dim3A_533 = vector.broadcast %jit3A_532 : f32 to vector<1x128xf32>
      %select_n3A_534 = arith.select %slice3A_516, %slice3A_531, %broadcast_in_dim3A_533 : vector<1x128xi1>, vector<1x128xf32>
      %reduce_max3A_535 = arith.constant dense<0xFF800000> : vector<1xf32>
      %reduce_max3A_536 = vector.multi_reduction <maximumf>, %select_n3A_534, %reduce_max3A_535 [1] : vector<1x128xf32> to vector<1xf32>
      %broadcast_in_dim3A_537 = vector.shape_cast %reduce_max3A_536 : vector<1xf32> to vector<1x1xf32>
      %broadcast_in_dim3A_538 = vector.shape_cast %broadcast_in_dim3A_523 : vector<1x1xf32> to vector<1x1xf32>
      %broadcast_in_dim3A_539 = vector.broadcast %broadcast_in_dim3A_538 : vector<1x1xf32> to vector<1x128xf32>
      %broadcast_in_dim3A_540 = vector.shape_cast %broadcast_in_dim3A_530 : vector<1x1xf32> to vector<1x1xf32>
      %broadcast_in_dim3A_541 = vector.broadcast %broadcast_in_dim3A_540 : vector<1x1xf32> to vector<1x128xf32>
      %broadcast_in_dim3A_542 = vector.shape_cast %broadcast_in_dim3A_537 : vector<1x1xf32> to vector<1x1xf32>
      %broadcast_in_dim3A_543 = vector.broadcast %broadcast_in_dim3A_542 : vector<1x1xf32> to vector<1x128xf32>
      %slice3A_544 = vector.extract_strided_slice %broadcast_in_dim3A_511 {offsets = [0, 0], sizes = [1, 1], strides = [1, 1]} : vector<4x1xf32> to vector<1x1xf32>
      %convert_element_type3A_545 = arith.fptosi %slice3A_544 : vector<1x1xf32> to vector<1x1xi32>
      %swap3A_546 = arith.constant 0 : index
      %swap3A_547 = arith.index_cast %scan3A_223 : i32 to index
      %swap3A_548 = arith.constant 0 : index
      %swap3A_549 = vector.load %arg3[%swap3A_546, %swap3A_547, %swap3A_548] : memref<4x2048x1xi32, #tpu.memory_space<vmem>>, vector<1x1x1xi32>
      %swap3A_550 = vector.shape_cast %swap3A_549 : vector<1x1x1xi32> to vector<1x1xi32>
      %swap3A_551 = vector.shape_cast %convert_element_type3A_545 : vector<1x1xi32> to vector<1x1x1xi32>
      tpu.vector_store %arg3[%swap3A_546, %swap3A_547, %swap3A_548], %swap3A_551 {strides = array<i32>} : memref<4x2048x1xi32, #tpu.memory_space<vmem>>, vector<1x1x1xi32>,
      %swap3A_552 = arith.constant 0 : index
      %swap3A_553 = arith.index_cast %scan3A_223 : i32 to index
      %swap3A_554 = arith.constant 0 : index
      %swap3A_555 = vector.load %arg4[%swap3A_552, %swap3A_553, %swap3A_554] : memref<4x2048x1xf32, #tpu.memory_space<vmem>>, vector<1x1x1xf32>
      %swap3A_556 = vector.shape_cast %swap3A_555 : vector<1x1x1xf32> to vector<1x1xf32>
      %swap3A_557 = vector.shape_cast %broadcast_in_dim3A_523 : vector<1x1xf32> to vector<1x1x1xf32>
      tpu.vector_store %arg4[%swap3A_552, %swap3A_553, %swap3A_554], %swap3A_557 {strides = array<i32>} : memref<4x2048x1xf32, #tpu.memory_space<vmem>>, vector<1x1x1xf32>,
      %swap3A_558 = arith.constant 0 : index
      %swap3A_559 = arith.index_cast %scan3A_223 : i32 to index
      %swap3A_560 = arith.constant 0 : index
      %swap3A_561 = vector.load %arg5[%swap3A_558, %swap3A_559, %swap3A_560] : memref<4x2048x1xf32, #tpu.memory_space<vmem>>, vector<1x1x1xf32>
      %swap3A_562 = vector.shape_cast %swap3A_561 : vector<1x1x1xf32> to vector<1x1xf32>
      %swap3A_563 = vector.shape_cast %broadcast_in_dim3A_530 : vector<1x1xf32> to vector<1x1x1xf32>
      tpu.vector_store %arg5[%swap3A_558, %swap3A_559, %swap3A_560], %swap3A_563 {strides = array<i32>} : memref<4x2048x1xf32, #tpu.memory_space<vmem>>, vector<1x1x1xf32>,
      %swap3A_564 = arith.constant 0 : index
      %swap3A_565 = arith.index_cast %scan3A_223 : i32 to index
      %swap3A_566 = arith.constant 0 : index
      %swap3A_567 = vector.load %arg6[%swap3A_564, %swap3A_565, %swap3A_566] : memref<4x2048x1xf32, #tpu.memory_space<vmem>>, vector<1x1x1xf32>
      %swap3A_568 = vector.shape_cast %swap3A_567 : vector<1x1x1xf32> to vector<1x1xf32>
      %swap3A_569 = vector.shape_cast %broadcast_in_dim3A_537 : vector<1x1xf32> to vector<1x1x1xf32>
      tpu.vector_store %arg6[%swap3A_564, %swap3A_565, %swap3A_566], %swap3A_569 {strides = array<i32>} : memref<4x2048x1xf32, #tpu.memory_space<vmem>>, vector<1x1x1xf32>,
      %slice3A_570 = vector.extract_strided_slice %eq3A_514 {offsets = [1, 0], sizes = [1, 128], strides = [1, 1]} : vector<4x128xi1> to vector<1x128xi1>
      %slice3A_571 = vector.extract_strided_slice %concatenate3A_515 {offsets = [3, 0], sizes = [1, 128], strides = [1, 1]} : vector<12x128xf32> to vector<1x128xf32>
      %jit3A_572 = arith.constant 0xFF800000 : f32
      %broadcast_in_dim3A_573 = vector.broadcast %jit3A_572 : f32 to vector<1x128xf32>
      %select_n3A_574 = arith.select %slice3A_570, %slice3A_571, %broadcast_in_dim3A_573 : vector<1x128xi1>, vector<1x128xf32>
      %reduce_max3A_575 = arith.constant dense<0xFF800000> : vector<1xf32>
      %reduce_max3A_576 = vector.multi_reduction <maximumf>, %select_n3A_574, %reduce_max3A_575 [1] : vector<1x128xf32> to vector<1xf32>
      %broadcast_in_dim3A_577 = vector.shape_cast %reduce_max3A_576 : vector<1xf32> to vector<1x1xf32>
      %slice3A_578 = vector.extract_strided_slice %concatenate3A_515 {offsets = [4, 0], sizes = [1, 128], strides = [1, 1]} : vector<12x128xf32> to vector<1x128xf32>
      %jit3A_579 = arith.constant 0xFF800000 : f32
      %broadcast_in_dim3A_580 = vector.broadcast %jit3A_579 : f32 to vector<1x128xf32>
      %select_n3A_581 = arith.select %slice3A_570, %slice3A_578, %broadcast_in_dim3A_580 : vector<1x128xi1>, vector<1x128xf32>
      %reduce_max3A_582 = arith.constant dense<0xFF800000> : vector<1xf32>
      %reduce_max3A_583 = vector.multi_reduction <maximumf>, %select_n3A_581, %reduce_max3A_582 [1] : vector<1x128xf32> to vector<1xf32>
      %broadcast_in_dim3A_584 = vector.shape_cast %reduce_max3A_583 : vector<1xf32> to vector<1x1xf32>
      %slice3A_585 = vector.extract_strided_slice %concatenate3A_515 {offsets = [5, 0], sizes = [1, 128], strides = [1, 1]} : vector<12x128xf32> to vector<1x128xf32>
      %jit3A_586 = arith.constant 0xFF800000 : f32
      %broadcast_in_dim3A_587 = vector.broadcast %jit3A_586 : f32 to vector<1x128xf32>
      %select_n3A_588 = arith.select %slice3A_570, %slice3A_585, %broadcast_in_dim3A_587 : vector<1x128xi1>, vector<1x128xf32>
      %reduce_max3A_589 = arith.constant dense<0xFF800000> : vector<1xf32>
      %reduce_max3A_590 = vector.multi_reduction <maximumf>, %select_n3A_588, %reduce_max3A_589 [1] : vector<1x128xf32> to vector<1xf32>
      %broadcast_in_dim3A_591 = vector.shape_cast %reduce_max3A_590 : vector<1xf32> to vector<1x1xf32>
      %broadcast_in_dim3A_592 = vector.shape_cast %broadcast_in_dim3A_577 : vector<1x1xf32> to vector<1x1xf32>
      %broadcast_in_dim3A_593 = vector.broadcast %broadcast_in_dim3A_592 : vector<1x1xf32> to vector<1x128xf32>
      %broadcast_in_dim3A_594 = vector.shape_cast %broadcast_in_dim3A_584 : vector<1x1xf32> to vector<1x1xf32>
      %broadcast_in_dim3A_595 = vector.broadcast %broadcast_in_dim3A_594 : vector<1x1xf32> to vector<1x128xf32>
      %broadcast_in_dim3A_596 = vector.shape_cast %broadcast_in_dim3A_591 : vector<1x1xf32> to vector<1x1xf32>
      %broadcast_in_dim3A_597 = vector.broadcast %broadcast_in_dim3A_596 : vector<1x1xf32> to vector<1x128xf32>
      %slice3A_598 = vector.extract_strided_slice %broadcast_in_dim3A_511 {offsets = [1, 0], sizes = [1, 1], strides = [1, 1]} : vector<4x1xf32> to vector<1x1xf32>
      %convert_element_type3A_599 = arith.fptosi %slice3A_598 : vector<1x1xf32> to vector<1x1xi32>
      %swap3A_600 = arith.constant 1 : index
      %swap3A_601 = arith.index_cast %scan3A_223 : i32 to index
      %swap3A_602 = arith.constant 0 : index
      %swap3A_603 = vector.load %arg3[%swap3A_600, %swap3A_601, %swap3A_602] : memref<4x2048x1xi32, #tpu.memory_space<vmem>>, vector<1x1x1xi32>
      %swap3A_604 = vector.shape_cast %swap3A_603 : vector<1x1x1xi32> to vector<1x1xi32>
      %swap3A_605 = vector.shape_cast %convert_element_type3A_599 : vector<1x1xi32> to vector<1x1x1xi32>
      tpu.vector_store %arg3[%swap3A_600, %swap3A_601, %swap3A_602], %swap3A_605 {strides = array<i32>} : memref<4x2048x1xi32, #tpu.memory_space<vmem>>, vector<1x1x1xi32>,
      %swap3A_606 = arith.constant 1 : index
      %swap3A_607 = arith.index_cast %scan3A_223 : i32 to index
      %swap3A_608 = arith.constant 0 : index
      %swap3A_609 = vector.load %arg4[%swap3A_606, %swap3A_607, %swap3A_608] : memref<4x2048x1xf32, #tpu.memory_space<vmem>>, vector<1x1x1xf32>
      %swap3A_610 = vector.shape_cast %swap3A_609 : vector<1x1x1xf32> to vector<1x1xf32>
      %swap3A_611 = vector.shape_cast %broadcast_in_dim3A_577 : vector<1x1xf32> to vector<1x1x1xf32>
      tpu.vector_store %arg4[%swap3A_606, %swap3A_607, %swap3A_608], %swap3A_611 {strides = array<i32>} : memref<4x2048x1xf32, #tpu.memory_space<vmem>>, vector<1x1x1xf32>,
      %swap3A_612 = arith.constant 1 : index
      %swap3A_613 = arith.index_cast %scan3A_223 : i32 to index
      %swap3A_614 = arith.constant 0 : index
      %swap3A_615 = vector.load %arg5[%swap3A_612, %swap3A_613, %swap3A_614] : memref<4x2048x1xf32, #tpu.memory_space<vmem>>, vector<1x1x1xf32>
      %swap3A_616 = vector.shape_cast %swap3A_615 : vector<1x1x1xf32> to vector<1x1xf32>
      %swap3A_617 = vector.shape_cast %broadcast_in_dim3A_584 : vector<1x1xf32> to vector<1x1x1xf32>
      tpu.vector_store %arg5[%swap3A_612, %swap3A_613, %swap3A_614], %swap3A_617 {strides = array<i32>} : memref<4x2048x1xf32, #tpu.memory_space<vmem>>, vector<1x1x1xf32>,
      %swap3A_618 = arith.constant 1 : index
      %swap3A_619 = arith.index_cast %scan3A_223 : i32 to index
      %swap3A_620 = arith.constant 0 : index
      %swap3A_621 = vector.load %arg6[%swap3A_618, %swap3A_619, %swap3A_620] : memref<4x2048x1xf32, #tpu.memory_space<vmem>>, vector<1x1x1xf32>
      %swap3A_622 = vector.shape_cast %swap3A_621 : vector<1x1x1xf32> to vector<1x1xf32>
      %swap3A_623 = vector.shape_cast %broadcast_in_dim3A_591 : vector<1x1xf32> to vector<1x1x1xf32>
      tpu.vector_store %arg6[%swap3A_618, %swap3A_619, %swap3A_620], %swap3A_623 {strides = array<i32>} : memref<4x2048x1xf32, #tpu.memory_space<vmem>>, vector<1x1x1xf32>,
      %slice3A_624 = vector.extract_strided_slice %eq3A_514 {offsets = [2, 0], sizes = [1, 128], strides = [1, 1]} : vector<4x128xi1> to vector<1x128xi1>
      %slice3A_625 = vector.extract_strided_slice %concatenate3A_515 {offsets = [6, 0], sizes = [1, 128], strides = [1, 1]} : vector<12x128xf32> to vector<1x128xf32>
      %jit3A_626 = arith.constant 0xFF800000 : f32
      %broadcast_in_dim3A_627 = vector.broadcast %jit3A_626 : f32 to vector<1x128xf32>
      %select_n3A_628 = arith.select %slice3A_624, %slice3A_625, %broadcast_in_dim3A_627 : vector<1x128xi1>, vector<1x128xf32>
      %reduce_max3A_629 = arith.constant dense<0xFF800000> : vector<1xf32>
      %reduce_max3A_630 = vector.multi_reduction <maximumf>, %select_n3A_628, %reduce_max3A_629 [1] : vector<1x128xf32> to vector<1xf32>
      %broadcast_in_dim3A_631 = vector.shape_cast %reduce_max3A_630 : vector<1xf32> to vector<1x1xf32>
      %slice3A_632 = vector.extract_strided_slice %concatenate3A_515 {offsets = [7, 0], sizes = [1, 128], strides = [1, 1]} : vector<12x128xf32> to vector<1x128xf32>
      %jit3A_633 = arith.constant 0xFF800000 : f32
      %broadcast_in_dim3A_634 = vector.broadcast %jit3A_633 : f32 to vector<1x128xf32>
      %select_n3A_635 = arith.select %slice3A_624, %slice3A_632, %broadcast_in_dim3A_634 : vector<1x128xi1>, vector<1x128xf32>
      %reduce_max3A_636 = arith.constant dense<0xFF800000> : vector<1xf32>
      %reduce_max3A_637 = vector.multi_reduction <maximumf>, %select_n3A_635, %reduce_max3A_636 [1] : vector<1x128xf32> to vector<1xf32>
      %broadcast_in_dim3A_638 = vector.shape_cast %reduce_max3A_637 : vector<1xf32> to vector<1x1xf32>
      %slice3A_639 = vector.extract_strided_slice %concatenate3A_515 {offsets = [8, 0], sizes = [1, 128], strides = [1, 1]} : vector<12x128xf32> to vector<1x128xf32>
      %jit3A_640 = arith.constant 0xFF800000 : f32
      %broadcast_in_dim3A_641 = vector.broadcast %jit3A_640 : f32 to vector<1x128xf32>
      %select_n3A_642 = arith.select %slice3A_624, %slice3A_639, %broadcast_in_dim3A_641 : vector<1x128xi1>, vector<1x128xf32>
      %reduce_max3A_643 = arith.constant dense<0xFF800000> : vector<1xf32>
      %reduce_max3A_644 = vector.multi_reduction <maximumf>, %select_n3A_642, %reduce_max3A_643 [1] : vector<1x128xf32> to vector<1xf32>
      %broadcast_in_dim3A_645 = vector.shape_cast %reduce_max3A_644 : vector<1xf32> to vector<1x1xf32>
      %broadcast_in_dim3A_646 = vector.shape_cast %broadcast_in_dim3A_631 : vector<1x1xf32> to vector<1x1xf32>
      %broadcast_in_dim3A_647 = vector.broadcast %broadcast_in_dim3A_646 : vector<1x1xf32> to vector<1x128xf32>
      %broadcast_in_dim3A_648 = vector.shape_cast %broadcast_in_dim3A_638 : vector<1x1xf32> to vector<1x1xf32>
      %broadcast_in_dim3A_649 = vector.broadcast %broadcast_in_dim3A_648 : vector<1x1xf32> to vector<1x128xf32>
      %broadcast_in_dim3A_650 = vector.shape_cast %broadcast_in_dim3A_645 : vector<1x1xf32> to vector<1x1xf32>
      %broadcast_in_dim3A_651 = vector.broadcast %broadcast_in_dim3A_650 : vector<1x1xf32> to vector<1x128xf32>
      %slice3A_652 = vector.extract_strided_slice %broadcast_in_dim3A_511 {offsets = [2, 0], sizes = [1, 1], strides = [1, 1]} : vector<4x1xf32> to vector<1x1xf32>
      %convert_element_type3A_653 = arith.fptosi %slice3A_652 : vector<1x1xf32> to vector<1x1xi32>
      %swap3A_654 = arith.constant 2 : index
      %swap3A_655 = arith.index_cast %scan3A_223 : i32 to index
      %swap3A_656 = arith.constant 0 : index
      %swap3A_657 = vector.load %arg3[%swap3A_654, %swap3A_655, %swap3A_656] : memref<4x2048x1xi32, #tpu.memory_space<vmem>>, vector<1x1x1xi32>
      %swap3A_658 = vector.shape_cast %swap3A_657 : vector<1x1x1xi32> to vector<1x1xi32>
      %swap3A_659 = vector.shape_cast %convert_element_type3A_653 : vector<1x1xi32> to vector<1x1x1xi32>
      tpu.vector_store %arg3[%swap3A_654, %swap3A_655, %swap3A_656], %swap3A_659 {strides = array<i32>} : memref<4x2048x1xi32, #tpu.memory_space<vmem>>, vector<1x1x1xi32>,
      %swap3A_660 = arith.constant 2 : index
      %swap3A_661 = arith.index_cast %scan3A_223 : i32 to index
      %swap3A_662 = arith.constant 0 : index
      %swap3A_663 = vector.load %arg4[%swap3A_660, %swap3A_661, %swap3A_662] : memref<4x2048x1xf32, #tpu.memory_space<vmem>>, vector<1x1x1xf32>
      %swap3A_664 = vector.shape_cast %swap3A_663 : vector<1x1x1xf32> to vector<1x1xf32>
      %swap3A_665 = vector.shape_cast %broadcast_in_dim3A_631 : vector<1x1xf32> to vector<1x1x1xf32>
      tpu.vector_store %arg4[%swap3A_660, %swap3A_661, %swap3A_662], %swap3A_665 {strides = array<i32>} : memref<4x2048x1xf32, #tpu.memory_space<vmem>>, vector<1x1x1xf32>,
      %swap3A_666 = arith.constant 2 : index
      %swap3A_667 = arith.index_cast %scan3A_223 : i32 to index
      %swap3A_668 = arith.constant 0 : index
      %swap3A_669 = vector.load %arg5[%swap3A_666, %swap3A_667, %swap3A_668] : memref<4x2048x1xf32, #tpu.memory_space<vmem>>, vector<1x1x1xf32>
      %swap3A_670 = vector.shape_cast %swap3A_669 : vector<1x1x1xf32> to vector<1x1xf32>
      %swap3A_671 = vector.shape_cast %broadcast_in_dim3A_638 : vector<1x1xf32> to vector<1x1x1xf32>
      tpu.vector_store %arg5[%swap3A_666, %swap3A_667, %swap3A_668], %swap3A_671 {strides = array<i32>} : memref<4x2048x1xf32, #tpu.memory_space<vmem>>, vector<1x1x1xf32>,
      %swap3A_672 = arith.constant 2 : index
      %swap3A_673 = arith.index_cast %scan3A_223 : i32 to index
      %swap3A_674 = arith.constant 0 : index
      %swap3A_675 = vector.load %arg6[%swap3A_672, %swap3A_673, %swap3A_674] : memref<4x2048x1xf32, #tpu.memory_space<vmem>>, vector<1x1x1xf32>
      %swap3A_676 = vector.shape_cast %swap3A_675 : vector<1x1x1xf32> to vector<1x1xf32>
      %swap3A_677 = vector.shape_cast %broadcast_in_dim3A_645 : vector<1x1xf32> to vector<1x1x1xf32>
      tpu.vector_store %arg6[%swap3A_672, %swap3A_673, %swap3A_674], %swap3A_677 {strides = array<i32>} : memref<4x2048x1xf32, #tpu.memory_space<vmem>>, vector<1x1x1xf32>,
      %slice3A_678 = vector.extract_strided_slice %eq3A_514 {offsets = [3, 0], sizes = [1, 128], strides = [1, 1]} : vector<4x128xi1> to vector<1x128xi1>
      %slice3A_679 = vector.extract_strided_slice %concatenate3A_515 {offsets = [9, 0], sizes = [1, 128], strides = [1, 1]} : vector<12x128xf32> to vector<1x128xf32>
      %jit3A_680 = arith.constant 0xFF800000 : f32
      %broadcast_in_dim3A_681 = vector.broadcast %jit3A_680 : f32 to vector<1x128xf32>
      %select_n3A_682 = arith.select %slice3A_678, %slice3A_679, %broadcast_in_dim3A_681 : vector<1x128xi1>, vector<1x128xf32>
      %reduce_max3A_683 = arith.constant dense<0xFF800000> : vector<1xf32>
      %reduce_max3A_684 = vector.multi_reduction <maximumf>, %select_n3A_682, %reduce_max3A_683 [1] : vector<1x128xf32> to vector<1xf32>
      %broadcast_in_dim3A_685 = vector.shape_cast %reduce_max3A_684 : vector<1xf32> to vector<1x1xf32>
      %slice3A_686 = vector.extract_strided_slice %concatenate3A_515 {offsets = [10, 0], sizes = [1, 128], strides = [1, 1]} : vector<12x128xf32> to vector<1x128xf32>
      %jit3A_687 = arith.constant 0xFF800000 : f32
      %broadcast_in_dim3A_688 = vector.broadcast %jit3A_687 : f32 to vector<1x128xf32>
      %select_n3A_689 = arith.select %slice3A_678, %slice3A_686, %broadcast_in_dim3A_688 : vector<1x128xi1>, vector<1x128xf32>
      %reduce_max3A_690 = arith.constant dense<0xFF800000> : vector<1xf32>
      %reduce_max3A_691 = vector.multi_reduction <maximumf>, %select_n3A_689, %reduce_max3A_690 [1] : vector<1x128xf32> to vector<1xf32>
      %broadcast_in_dim3A_692 = vector.shape_cast %reduce_max3A_691 : vector<1xf32> to vector<1x1xf32>
      %slice3A_693 = vector.extract_strided_slice %concatenate3A_515 {offsets = [11, 0], sizes = [1, 128], strides = [1, 1]} : vector<12x128xf32> to vector<1x128xf32>
      %jit3A_694 = arith.constant 0xFF800000 : f32
      %broadcast_in_dim3A_695 = vector.broadcast %jit3A_694 : f32 to vector<1x128xf32>
      %select_n3A_696 = arith.select %slice3A_678, %slice3A_693, %broadcast_in_dim3A_695 : vector<1x128xi1>, vector<1x128xf32>
      %reduce_max3A_697 = arith.constant dense<0xFF800000> : vector<1xf32>
      %reduce_max3A_698 = vector.multi_reduction <maximumf>, %select_n3A_696, %reduce_max3A_697 [1] : vector<1x128xf32> to vector<1xf32>
      %broadcast_in_dim3A_699 = vector.shape_cast %reduce_max3A_698 : vector<1xf32> to vector<1x1xf32>
      %broadcast_in_dim3A_700 = vector.shape_cast %broadcast_in_dim3A_685 : vector<1x1xf32> to vector<1x1xf32>
      %broadcast_in_dim3A_701 = vector.broadcast %broadcast_in_dim3A_700 : vector<1x1xf32> to vector<1x128xf32>
      %broadcast_in_dim3A_702 = vector.shape_cast %broadcast_in_dim3A_692 : vector<1x1xf32> to vector<1x1xf32>
      %broadcast_in_dim3A_703 = vector.broadcast %broadcast_in_dim3A_702 : vector<1x1xf32> to vector<1x128xf32>
      %broadcast_in_dim3A_704 = vector.shape_cast %broadcast_in_dim3A_699 : vector<1x1xf32> to vector<1x1xf32>
      %broadcast_in_dim3A_705 = vector.broadcast %broadcast_in_dim3A_704 : vector<1x1xf32> to vector<1x128xf32>
      %slice3A_706 = vector.extract_strided_slice %broadcast_in_dim3A_511 {offsets = [3, 0], sizes = [1, 1], strides = [1, 1]} : vector<4x1xf32> to vector<1x1xf32>
      %convert_element_type3A_707 = arith.fptosi %slice3A_706 : vector<1x1xf32> to vector<1x1xi32>
      %swap3A_708 = arith.constant 3 : index
      %swap3A_709 = arith.index_cast %scan3A_223 : i32 to index
      %swap3A_710 = arith.constant 0 : index
      %swap3A_711 = vector.load %arg3[%swap3A_708, %swap3A_709, %swap3A_710] : memref<4x2048x1xi32, #tpu.memory_space<vmem>>, vector<1x1x1xi32>
      %swap3A_712 = vector.shape_cast %swap3A_711 : vector<1x1x1xi32> to vector<1x1xi32>
      %swap3A_713 = vector.shape_cast %convert_element_type3A_707 : vector<1x1xi32> to vector<1x1x1xi32>
      tpu.vector_store %arg3[%swap3A_708, %swap3A_709, %swap3A_710], %swap3A_713 {strides = array<i32>} : memref<4x2048x1xi32, #tpu.memory_space<vmem>>, vector<1x1x1xi32>,
      %swap3A_714 = arith.constant 3 : index
      %swap3A_715 = arith.index_cast %scan3A_223 : i32 to index
      %swap3A_716 = arith.constant 0 : index
      %swap3A_717 = vector.load %arg4[%swap3A_714, %swap3A_715, %swap3A_716] : memref<4x2048x1xf32, #tpu.memory_space<vmem>>, vector<1x1x1xf32>
      %swap3A_718 = vector.shape_cast %swap3A_717 : vector<1x1x1xf32> to vector<1x1xf32>
      %swap3A_719 = vector.shape_cast %broadcast_in_dim3A_685 : vector<1x1xf32> to vector<1x1x1xf32>
      tpu.vector_store %arg4[%swap3A_714, %swap3A_715, %swap3A_716], %swap3A_719 {strides = array<i32>} : memref<4x2048x1xf32, #tpu.memory_space<vmem>>, vector<1x1x1xf32>,
      %swap3A_720 = arith.constant 3 : index
      %swap3A_721 = arith.index_cast %scan3A_223 : i32 to index
      %swap3A_722 = arith.constant 0 : index
      %swap3A_723 = vector.load %arg5[%swap3A_720, %swap3A_721, %swap3A_722] : memref<4x2048x1xf32, #tpu.memory_space<vmem>>, vector<1x1x1xf32>
      %swap3A_724 = vector.shape_cast %swap3A_723 : vector<1x1x1xf32> to vector<1x1xf32>
      %swap3A_725 = vector.shape_cast %broadcast_in_dim3A_692 : vector<1x1xf32> to vector<1x1x1xf32>
      tpu.vector_store %arg5[%swap3A_720, %swap3A_721, %swap3A_722], %swap3A_725 {strides = array<i32>} : memref<4x2048x1xf32, #tpu.memory_space<vmem>>, vector<1x1x1xf32>,
      %swap3A_726 = arith.constant 3 : index
      %swap3A_727 = arith.index_cast %scan3A_223 : i32 to index
      %swap3A_728 = arith.constant 0 : index
      %swap3A_729 = vector.load %arg6[%swap3A_726, %swap3A_727, %swap3A_728] : memref<4x2048x1xf32, #tpu.memory_space<vmem>>, vector<1x1x1xf32>
      %swap3A_730 = vector.shape_cast %swap3A_729 : vector<1x1x1xf32> to vector<1x1xf32>
      %swap3A_731 = vector.shape_cast %broadcast_in_dim3A_699 : vector<1x1xf32> to vector<1x1x1xf32>
      tpu.vector_store %arg6[%swap3A_726, %swap3A_727, %swap3A_728], %swap3A_731 {strides = array<i32>} : memref<4x2048x1xf32, #tpu.memory_space<vmem>>, vector<1x1x1xf32>,
      scf.yield %broadcast_in_dim3A_539, %broadcast_in_dim3A_541, %broadcast_in_dim3A_543, %broadcast_in_dim3A_593, %broadcast_in_dim3A_595, %broadcast_in_dim3A_597, %broadcast_in_dim3A_647, %broadcast_in_dim3A_649, %broadcast_in_dim3A_651, %broadcast_in_dim3A_701, %broadcast_in_dim3A_703, %broadcast_in_dim3A_705 : vector<1x128xf32>, vector<1x128xf32>, vector<1x128xf32>, vector<1x128xf32>, vector<1x128xf32>, vector<1x128xf32>, vector<1x128xf32>, vector<1x128xf32>, vector<1x128xf32>, vector<1x128xf32>, vector<1x128xf32>, vector<1x128xf32>
    }
    %scan3A_222 = arith.constant 2047 : i32
    return
  }
}

module attributes {stable_mosaic.version = 14 : i64} {
  func.func @_knn_body(%arg0: i32, %arg1: i32, %arg2: memref<1x128x1xf32, #tpu.memory_space<vmem>>, %arg3: memref<1x128x1xf32, #tpu.memory_space<vmem>>, %arg4: memref<1x128x1xf32, #tpu.memory_space<vmem>>, %arg5: memref<1x1x8192xf32, #tpu.memory_space<vmem>>, %arg6: memref<1x1x8192xf32, #tpu.memory_space<vmem>>, %arg7: memref<1x1x8192xf32, #tpu.memory_space<vmem>>, %arg8: memref<1x128x16xi32, #tpu.memory_space<vmem>>) attributes {dimension_semantics = [#tpu.dimension_semantics<arbitrary>, #tpu.dimension_semantics<arbitrary>], iteration_bounds = array<i64: 4, 16>, scalar_prefetch = 0 : i64, scratch_operands = 0 : i64, tpu.core_type = #tpu.core_type<tc>, window_params = [{transform_indices = @transform_0, window_bounds = array<i64: 1, 128, 1>}, {transform_indices = @transform_1, window_bounds = array<i64: 1, 128, 1>}, {transform_indices = @transform_2, window_bounds = array<i64: 1, 128, 1>}, {transform_indices = @transform_3, window_bounds = array<i64: 1, 1, 8192>}, {transform_indices = @transform_4, window_bounds = array<i64: 1, 1, 8192>}, {transform_indices = @transform_5, window_bounds = array<i64: 1, 1, 8192>}, {transform_indices = @transform_6, window_bounds = array<i64: 1, 128, 16>}]} {
    %get3A = arith.constant 0 : index
    %get3A_0 = arith.constant 0 : index
    %get3A_1 = arith.constant 0 : index
    %get3A_2 = vector.load %arg2[%get3A, %get3A_0, %get3A_1] : memref<1x128x1xf32, #tpu.memory_space<vmem>>, vector<1x128x1xf32>
    %get3A_3 = vector.shape_cast %get3A_2 : vector<1x128x1xf32> to vector<128x1xf32>
    %get3A_4 = arith.constant 0 : index
    %get3A_5 = arith.constant 0 : index
    %get3A_6 = arith.constant 0 : index
    %get3A_7 = vector.load %arg3[%get3A_4, %get3A_5, %get3A_6] : memref<1x128x1xf32, #tpu.memory_space<vmem>>, vector<1x128x1xf32>
    %get3A_8 = vector.shape_cast %get3A_7 : vector<1x128x1xf32> to vector<128x1xf32>
    %get3A_9 = arith.constant 0 : index
    %get3A_10 = arith.constant 0 : index
    %get3A_11 = arith.constant 0 : index
    %get3A_12 = vector.load %arg4[%get3A_9, %get3A_10, %get3A_11] : memref<1x128x1xf32, #tpu.memory_space<vmem>>, vector<1x128x1xf32>
    %get3A_13 = vector.shape_cast %get3A_12 : vector<1x128x1xf32> to vector<128x1xf32>
    %get3A_14 = arith.constant 0 : index
    %get3A_15 = arith.constant 0 : index
    %get3A_16 = arith.constant 0 : index
    %get3A_17 = vector.load %arg5[%get3A_14, %get3A_15, %get3A_16] : memref<1x1x8192xf32, #tpu.memory_space<vmem>>, vector<1x1x8192xf32>
    %reshape3A = vector.shape_cast %get3A_17 : vector<1x1x8192xf32> to vector<1x8192xf32>
    %get3A_18 = arith.constant 0 : index
    %get3A_19 = arith.constant 0 : index
    %get3A_20 = arith.constant 0 : index
    %get3A_21 = vector.load %arg6[%get3A_18, %get3A_19, %get3A_20] : memref<1x1x8192xf32, #tpu.memory_space<vmem>>, vector<1x1x8192xf32>
    %reshape3A_22 = vector.shape_cast %get3A_21 : vector<1x1x8192xf32> to vector<1x8192xf32>
    %get3A_23 = arith.constant 0 : index
    %get3A_24 = arith.constant 0 : index
    %get3A_25 = arith.constant 0 : index
    %get3A_26 = vector.load %arg7[%get3A_23, %get3A_24, %get3A_25] : memref<1x1x8192xf32, #tpu.memory_space<vmem>>, vector<1x1x8192xf32>
    %reshape3A_27 = vector.shape_cast %get3A_26 : vector<1x1x8192xf32> to vector<1x8192xf32>
    %sub3A = vector.broadcast %get3A_3 : vector<128x1xf32> to vector<128x8192xf32>
    %sub3A_28 = vector.broadcast %reshape3A : vector<1x8192xf32> to vector<128x8192xf32>
    %sub3A_29 = arith.subf %sub3A, %sub3A_28 : vector<128x8192xf32>
    %sub3A_30 = vector.broadcast %get3A_8 : vector<128x1xf32> to vector<128x8192xf32>
    %sub3A_31 = vector.broadcast %reshape3A_22 : vector<1x8192xf32> to vector<128x8192xf32>
    %sub3A_32 = arith.subf %sub3A_30, %sub3A_31 : vector<128x8192xf32>
    %sub3A_33 = vector.broadcast %get3A_13 : vector<128x1xf32> to vector<128x8192xf32>
    %sub3A_34 = vector.broadcast %reshape3A_27 : vector<1x8192xf32> to vector<128x8192xf32>
    %sub3A_35 = arith.subf %sub3A_33, %sub3A_34 : vector<128x8192xf32>
    %mul3A = arith.mulf %sub3A_29, %sub3A_29 : vector<128x8192xf32>
    %mul3A_36 = arith.mulf %sub3A_32, %sub3A_32 : vector<128x8192xf32>
    %add3A = arith.addf %mul3A, %mul3A_36 : vector<128x8192xf32>
    %mul3A_37 = arith.mulf %sub3A_35, %sub3A_35 : vector<128x8192xf32>
    %add3A_38 = arith.addf %add3A, %mul3A_37 : vector<128x8192xf32>
    %iota3A = tpu.iota {dimensions = array<i32: 1>} : vector<128x8192xi32>
    %reduce_min3A = arith.constant dense<0x7F800000> : vector<128xf32>
    %reduce_min3A_39 = vector.multi_reduction <minimumf>, %add3A_38, %reduce_min3A [1] : vector<128x8192xf32> to vector<128xf32>
    %broadcast_in_dim3A = vector.shape_cast %reduce_min3A_39 : vector<128xf32> to vector<128x1xf32>
    %eq3A = vector.broadcast %broadcast_in_dim3A : vector<128x1xf32> to vector<128x8192xf32>
    %eq3A_40 = arith.cmpf oeq, %add3A_38, %eq3A : vector<128x8192xf32>
    %jit3A = arith.constant 1073741824 : i32
    %broadcast_in_dim3A_41 = vector.broadcast %jit3A : i32 to vector<128x8192xi32>
    %select_n3A = arith.select %eq3A_40, %iota3A, %broadcast_in_dim3A_41 : vector<128x8192xi1>, vector<128x8192xi32>
    %reduce_min3A_42 = arith.constant dense<2147483647> : vector<128xi32>
    %reduce_min3A_43 = vector.multi_reduction <minsi>, %select_n3A, %reduce_min3A_42 [1] : vector<128x8192xi32> to vector<128xi32>
    %broadcast_in_dim3A_44 = vector.shape_cast %reduce_min3A_43 : vector<128xi32> to vector<128x1xi32>
    %eq3A_45 = vector.broadcast %broadcast_in_dim3A_44 : vector<128x1xi32> to vector<128x8192xi32>
    %eq3A_46 = arith.cmpi eq, %iota3A, %eq3A_45 : vector<128x8192xi32>
    %jit3A_47 = arith.constant 0x7F800000 : f32
    %broadcast_in_dim3A_48 = vector.broadcast %jit3A_47 : f32 to vector<128x8192xf32>
    %select_n3A_49 = arith.select %eq3A_46, %broadcast_in_dim3A_48, %add3A_38 : vector<128x8192xi1>, vector<128x8192xf32>
    %reduce_min3A_50 = arith.constant dense<0x7F800000> : vector<128xf32>
    %reduce_min3A_51 = vector.multi_reduction <minimumf>, %select_n3A_49, %reduce_min3A_50 [1] : vector<128x8192xf32> to vector<128xf32>
    %broadcast_in_dim3A_52 = vector.shape_cast %reduce_min3A_51 : vector<128xf32> to vector<128x1xf32>
    %eq3A_53 = vector.broadcast %broadcast_in_dim3A_52 : vector<128x1xf32> to vector<128x8192xf32>
    %eq3A_54 = arith.cmpf oeq, %select_n3A_49, %eq3A_53 : vector<128x8192xf32>
    %jit3A_55 = arith.constant 1073741824 : i32
    %broadcast_in_dim3A_56 = vector.broadcast %jit3A_55 : i32 to vector<128x8192xi32>
    %select_n3A_57 = arith.select %eq3A_54, %iota3A, %broadcast_in_dim3A_56 : vector<128x8192xi1>, vector<128x8192xi32>
    %reduce_min3A_58 = arith.constant dense<2147483647> : vector<128xi32>
    %reduce_min3A_59 = vector.multi_reduction <minsi>, %select_n3A_57, %reduce_min3A_58 [1] : vector<128x8192xi32> to vector<128xi32>
    %broadcast_in_dim3A_60 = vector.shape_cast %reduce_min3A_59 : vector<128xi32> to vector<128x1xi32>
    %eq3A_61 = vector.broadcast %broadcast_in_dim3A_60 : vector<128x1xi32> to vector<128x8192xi32>
    %eq3A_62 = arith.cmpi eq, %iota3A, %eq3A_61 : vector<128x8192xi32>
    %jit3A_63 = arith.constant 0x7F800000 : f32
    %broadcast_in_dim3A_64 = vector.broadcast %jit3A_63 : f32 to vector<128x8192xf32>
    %select_n3A_65 = arith.select %eq3A_62, %broadcast_in_dim3A_64, %select_n3A_49 : vector<128x8192xi1>, vector<128x8192xf32>
    %reduce_min3A_66 = arith.constant dense<0x7F800000> : vector<128xf32>
    %reduce_min3A_67 = vector.multi_reduction <minimumf>, %select_n3A_65, %reduce_min3A_66 [1] : vector<128x8192xf32> to vector<128xf32>
    %broadcast_in_dim3A_68 = vector.shape_cast %reduce_min3A_67 : vector<128xf32> to vector<128x1xf32>
    %eq3A_69 = vector.broadcast %broadcast_in_dim3A_68 : vector<128x1xf32> to vector<128x8192xf32>
    %eq3A_70 = arith.cmpf oeq, %select_n3A_65, %eq3A_69 : vector<128x8192xf32>
    %jit3A_71 = arith.constant 1073741824 : i32
    %broadcast_in_dim3A_72 = vector.broadcast %jit3A_71 : i32 to vector<128x8192xi32>
    %select_n3A_73 = arith.select %eq3A_70, %iota3A, %broadcast_in_dim3A_72 : vector<128x8192xi1>, vector<128x8192xi32>
    %reduce_min3A_74 = arith.constant dense<2147483647> : vector<128xi32>
    %reduce_min3A_75 = vector.multi_reduction <minsi>, %select_n3A_73, %reduce_min3A_74 [1] : vector<128x8192xi32> to vector<128xi32>
    %broadcast_in_dim3A_76 = vector.shape_cast %reduce_min3A_75 : vector<128xi32> to vector<128x1xi32>
    %eq3A_77 = vector.broadcast %broadcast_in_dim3A_76 : vector<128x1xi32> to vector<128x8192xi32>
    %eq3A_78 = arith.cmpi eq, %iota3A, %eq3A_77 : vector<128x8192xi32>
    %jit3A_79 = arith.constant 0x7F800000 : f32
    %broadcast_in_dim3A_80 = vector.broadcast %jit3A_79 : f32 to vector<128x8192xf32>
    %select_n3A_81 = arith.select %eq3A_78, %broadcast_in_dim3A_80, %select_n3A_65 : vector<128x8192xi1>, vector<128x8192xf32>
    %reduce_min3A_82 = arith.constant dense<0x7F800000> : vector<128xf32>
    %reduce_min3A_83 = vector.multi_reduction <minimumf>, %select_n3A_81, %reduce_min3A_82 [1] : vector<128x8192xf32> to vector<128xf32>
    %broadcast_in_dim3A_84 = vector.shape_cast %reduce_min3A_83 : vector<128xf32> to vector<128x1xf32>
    %eq3A_85 = vector.broadcast %broadcast_in_dim3A_84 : vector<128x1xf32> to vector<128x8192xf32>
    %eq3A_86 = arith.cmpf oeq, %select_n3A_81, %eq3A_85 : vector<128x8192xf32>
    %jit3A_87 = arith.constant 1073741824 : i32
    %broadcast_in_dim3A_88 = vector.broadcast %jit3A_87 : i32 to vector<128x8192xi32>
    %select_n3A_89 = arith.select %eq3A_86, %iota3A, %broadcast_in_dim3A_88 : vector<128x8192xi1>, vector<128x8192xi32>
    %reduce_min3A_90 = arith.constant dense<2147483647> : vector<128xi32>
    %reduce_min3A_91 = vector.multi_reduction <minsi>, %select_n3A_89, %reduce_min3A_90 [1] : vector<128x8192xi32> to vector<128xi32>
    %broadcast_in_dim3A_92 = vector.shape_cast %reduce_min3A_91 : vector<128xi32> to vector<128x1xi32>
    %eq3A_93 = vector.broadcast %broadcast_in_dim3A_92 : vector<128x1xi32> to vector<128x8192xi32>
    %eq3A_94 = arith.cmpi eq, %iota3A, %eq3A_93 : vector<128x8192xi32>
    %jit3A_95 = arith.constant 0x7F800000 : f32
    %broadcast_in_dim3A_96 = vector.broadcast %jit3A_95 : f32 to vector<128x8192xf32>
    %select_n3A_97 = arith.select %eq3A_94, %broadcast_in_dim3A_96, %select_n3A_81 : vector<128x8192xi1>, vector<128x8192xf32>
    %reduce_min3A_98 = arith.constant dense<0x7F800000> : vector<128xf32>
    %reduce_min3A_99 = vector.multi_reduction <minimumf>, %select_n3A_97, %reduce_min3A_98 [1] : vector<128x8192xf32> to vector<128xf32>
    %broadcast_in_dim3A_100 = vector.shape_cast %reduce_min3A_99 : vector<128xf32> to vector<128x1xf32>
    %eq3A_101 = vector.broadcast %broadcast_in_dim3A_100 : vector<128x1xf32> to vector<128x8192xf32>
    %eq3A_102 = arith.cmpf oeq, %select_n3A_97, %eq3A_101 : vector<128x8192xf32>
    %jit3A_103 = arith.constant 1073741824 : i32
    %broadcast_in_dim3A_104 = vector.broadcast %jit3A_103 : i32 to vector<128x8192xi32>
    %select_n3A_105 = arith.select %eq3A_102, %iota3A, %broadcast_in_dim3A_104 : vector<128x8192xi1>, vector<128x8192xi32>
    %reduce_min3A_106 = arith.constant dense<2147483647> : vector<128xi32>
    %reduce_min3A_107 = vector.multi_reduction <minsi>, %select_n3A_105, %reduce_min3A_106 [1] : vector<128x8192xi32> to vector<128xi32>
    %broadcast_in_dim3A_108 = vector.shape_cast %reduce_min3A_107 : vector<128xi32> to vector<128x1xi32>
    %eq3A_109 = vector.broadcast %broadcast_in_dim3A_108 : vector<128x1xi32> to vector<128x8192xi32>
    %eq3A_110 = arith.cmpi eq, %iota3A, %eq3A_109 : vector<128x8192xi32>
    %jit3A_111 = arith.constant 0x7F800000 : f32
    %broadcast_in_dim3A_112 = vector.broadcast %jit3A_111 : f32 to vector<128x8192xf32>
    %select_n3A_113 = arith.select %eq3A_110, %broadcast_in_dim3A_112, %select_n3A_97 : vector<128x8192xi1>, vector<128x8192xf32>
    %reduce_min3A_114 = arith.constant dense<0x7F800000> : vector<128xf32>
    %reduce_min3A_115 = vector.multi_reduction <minimumf>, %select_n3A_113, %reduce_min3A_114 [1] : vector<128x8192xf32> to vector<128xf32>
    %broadcast_in_dim3A_116 = vector.shape_cast %reduce_min3A_115 : vector<128xf32> to vector<128x1xf32>
    %eq3A_117 = vector.broadcast %broadcast_in_dim3A_116 : vector<128x1xf32> to vector<128x8192xf32>
    %eq3A_118 = arith.cmpf oeq, %select_n3A_113, %eq3A_117 : vector<128x8192xf32>
    %jit3A_119 = arith.constant 1073741824 : i32
    %broadcast_in_dim3A_120 = vector.broadcast %jit3A_119 : i32 to vector<128x8192xi32>
    %select_n3A_121 = arith.select %eq3A_118, %iota3A, %broadcast_in_dim3A_120 : vector<128x8192xi1>, vector<128x8192xi32>
    %reduce_min3A_122 = arith.constant dense<2147483647> : vector<128xi32>
    %reduce_min3A_123 = vector.multi_reduction <minsi>, %select_n3A_121, %reduce_min3A_122 [1] : vector<128x8192xi32> to vector<128xi32>
    %broadcast_in_dim3A_124 = vector.shape_cast %reduce_min3A_123 : vector<128xi32> to vector<128x1xi32>
    %eq3A_125 = vector.broadcast %broadcast_in_dim3A_124 : vector<128x1xi32> to vector<128x8192xi32>
    %eq3A_126 = arith.cmpi eq, %iota3A, %eq3A_125 : vector<128x8192xi32>
    %jit3A_127 = arith.constant 0x7F800000 : f32
    %broadcast_in_dim3A_128 = vector.broadcast %jit3A_127 : f32 to vector<128x8192xf32>
    %select_n3A_129 = arith.select %eq3A_126, %broadcast_in_dim3A_128, %select_n3A_113 : vector<128x8192xi1>, vector<128x8192xf32>
    %reduce_min3A_130 = arith.constant dense<0x7F800000> : vector<128xf32>
    %reduce_min3A_131 = vector.multi_reduction <minimumf>, %select_n3A_129, %reduce_min3A_130 [1] : vector<128x8192xf32> to vector<128xf32>
    %broadcast_in_dim3A_132 = vector.shape_cast %reduce_min3A_131 : vector<128xf32> to vector<128x1xf32>
    %eq3A_133 = vector.broadcast %broadcast_in_dim3A_132 : vector<128x1xf32> to vector<128x8192xf32>
    %eq3A_134 = arith.cmpf oeq, %select_n3A_129, %eq3A_133 : vector<128x8192xf32>
    %jit3A_135 = arith.constant 1073741824 : i32
    %broadcast_in_dim3A_136 = vector.broadcast %jit3A_135 : i32 to vector<128x8192xi32>
    %select_n3A_137 = arith.select %eq3A_134, %iota3A, %broadcast_in_dim3A_136 : vector<128x8192xi1>, vector<128x8192xi32>
    %reduce_min3A_138 = arith.constant dense<2147483647> : vector<128xi32>
    %reduce_min3A_139 = vector.multi_reduction <minsi>, %select_n3A_137, %reduce_min3A_138 [1] : vector<128x8192xi32> to vector<128xi32>
    %broadcast_in_dim3A_140 = vector.shape_cast %reduce_min3A_139 : vector<128xi32> to vector<128x1xi32>
    %eq3A_141 = vector.broadcast %broadcast_in_dim3A_140 : vector<128x1xi32> to vector<128x8192xi32>
    %eq3A_142 = arith.cmpi eq, %iota3A, %eq3A_141 : vector<128x8192xi32>
    %jit3A_143 = arith.constant 0x7F800000 : f32
    %broadcast_in_dim3A_144 = vector.broadcast %jit3A_143 : f32 to vector<128x8192xf32>
    %select_n3A_145 = arith.select %eq3A_142, %broadcast_in_dim3A_144, %select_n3A_129 : vector<128x8192xi1>, vector<128x8192xf32>
    %reduce_min3A_146 = arith.constant dense<0x7F800000> : vector<128xf32>
    %reduce_min3A_147 = vector.multi_reduction <minimumf>, %select_n3A_145, %reduce_min3A_146 [1] : vector<128x8192xf32> to vector<128xf32>
    %broadcast_in_dim3A_148 = vector.shape_cast %reduce_min3A_147 : vector<128xf32> to vector<128x1xf32>
    %eq3A_149 = vector.broadcast %broadcast_in_dim3A_148 : vector<128x1xf32> to vector<128x8192xf32>
    %eq3A_150 = arith.cmpf oeq, %select_n3A_145, %eq3A_149 : vector<128x8192xf32>
    %jit3A_151 = arith.constant 1073741824 : i32
    %broadcast_in_dim3A_152 = vector.broadcast %jit3A_151 : i32 to vector<128x8192xi32>
    %select_n3A_153 = arith.select %eq3A_150, %iota3A, %broadcast_in_dim3A_152 : vector<128x8192xi1>, vector<128x8192xi32>
    %reduce_min3A_154 = arith.constant dense<2147483647> : vector<128xi32>
    %reduce_min3A_155 = vector.multi_reduction <minsi>, %select_n3A_153, %reduce_min3A_154 [1] : vector<128x8192xi32> to vector<128xi32>
    %broadcast_in_dim3A_156 = vector.shape_cast %reduce_min3A_155 : vector<128xi32> to vector<128x1xi32>
    %eq3A_157 = vector.broadcast %broadcast_in_dim3A_156 : vector<128x1xi32> to vector<128x8192xi32>
    %eq3A_158 = arith.cmpi eq, %iota3A, %eq3A_157 : vector<128x8192xi32>
    %jit3A_159 = arith.constant 0x7F800000 : f32
    %broadcast_in_dim3A_160 = vector.broadcast %jit3A_159 : f32 to vector<128x8192xf32>
    %select_n3A_161 = arith.select %eq3A_158, %broadcast_in_dim3A_160, %select_n3A_145 : vector<128x8192xi1>, vector<128x8192xf32>
    %reduce_min3A_162 = arith.constant dense<0x7F800000> : vector<128xf32>
    %reduce_min3A_163 = vector.multi_reduction <minimumf>, %select_n3A_161, %reduce_min3A_162 [1] : vector<128x8192xf32> to vector<128xf32>
    %broadcast_in_dim3A_164 = vector.shape_cast %reduce_min3A_163 : vector<128xf32> to vector<128x1xf32>
    %eq3A_165 = vector.broadcast %broadcast_in_dim3A_164 : vector<128x1xf32> to vector<128x8192xf32>
    %eq3A_166 = arith.cmpf oeq, %select_n3A_161, %eq3A_165 : vector<128x8192xf32>
    %jit3A_167 = arith.constant 1073741824 : i32
    %broadcast_in_dim3A_168 = vector.broadcast %jit3A_167 : i32 to vector<128x8192xi32>
    %select_n3A_169 = arith.select %eq3A_166, %iota3A, %broadcast_in_dim3A_168 : vector<128x8192xi1>, vector<128x8192xi32>
    %reduce_min3A_170 = arith.constant dense<2147483647> : vector<128xi32>
    %reduce_min3A_171 = vector.multi_reduction <minsi>, %select_n3A_169, %reduce_min3A_170 [1] : vector<128x8192xi32> to vector<128xi32>
    %broadcast_in_dim3A_172 = vector.shape_cast %reduce_min3A_171 : vector<128xi32> to vector<128x1xi32>
    %eq3A_173 = vector.broadcast %broadcast_in_dim3A_172 : vector<128x1xi32> to vector<128x8192xi32>
    %eq3A_174 = arith.cmpi eq, %iota3A, %eq3A_173 : vector<128x8192xi32>
    %jit3A_175 = arith.constant 0x7F800000 : f32
    %broadcast_in_dim3A_176 = vector.broadcast %jit3A_175 : f32 to vector<128x8192xf32>
    %select_n3A_177 = arith.select %eq3A_174, %broadcast_in_dim3A_176, %select_n3A_161 : vector<128x8192xi1>, vector<128x8192xf32>
    %reduce_min3A_178 = arith.constant dense<0x7F800000> : vector<128xf32>
    %reduce_min3A_179 = vector.multi_reduction <minimumf>, %select_n3A_177, %reduce_min3A_178 [1] : vector<128x8192xf32> to vector<128xf32>
    %broadcast_in_dim3A_180 = vector.shape_cast %reduce_min3A_179 : vector<128xf32> to vector<128x1xf32>
    %eq3A_181 = vector.broadcast %broadcast_in_dim3A_180 : vector<128x1xf32> to vector<128x8192xf32>
    %eq3A_182 = arith.cmpf oeq, %select_n3A_177, %eq3A_181 : vector<128x8192xf32>
    %jit3A_183 = arith.constant 1073741824 : i32
    %broadcast_in_dim3A_184 = vector.broadcast %jit3A_183 : i32 to vector<128x8192xi32>
    %select_n3A_185 = arith.select %eq3A_182, %iota3A, %broadcast_in_dim3A_184 : vector<128x8192xi1>, vector<128x8192xi32>
    %reduce_min3A_186 = arith.constant dense<2147483647> : vector<128xi32>
    %reduce_min3A_187 = vector.multi_reduction <minsi>, %select_n3A_185, %reduce_min3A_186 [1] : vector<128x8192xi32> to vector<128xi32>
    %broadcast_in_dim3A_188 = vector.shape_cast %reduce_min3A_187 : vector<128xi32> to vector<128x1xi32>
    %eq3A_189 = vector.broadcast %broadcast_in_dim3A_188 : vector<128x1xi32> to vector<128x8192xi32>
    %eq3A_190 = arith.cmpi eq, %iota3A, %eq3A_189 : vector<128x8192xi32>
    %jit3A_191 = arith.constant 0x7F800000 : f32
    %broadcast_in_dim3A_192 = vector.broadcast %jit3A_191 : f32 to vector<128x8192xf32>
    %select_n3A_193 = arith.select %eq3A_190, %broadcast_in_dim3A_192, %select_n3A_177 : vector<128x8192xi1>, vector<128x8192xf32>
    %reduce_min3A_194 = arith.constant dense<0x7F800000> : vector<128xf32>
    %reduce_min3A_195 = vector.multi_reduction <minimumf>, %select_n3A_193, %reduce_min3A_194 [1] : vector<128x8192xf32> to vector<128xf32>
    %broadcast_in_dim3A_196 = vector.shape_cast %reduce_min3A_195 : vector<128xf32> to vector<128x1xf32>
    %eq3A_197 = vector.broadcast %broadcast_in_dim3A_196 : vector<128x1xf32> to vector<128x8192xf32>
    %eq3A_198 = arith.cmpf oeq, %select_n3A_193, %eq3A_197 : vector<128x8192xf32>
    %jit3A_199 = arith.constant 1073741824 : i32
    %broadcast_in_dim3A_200 = vector.broadcast %jit3A_199 : i32 to vector<128x8192xi32>
    %select_n3A_201 = arith.select %eq3A_198, %iota3A, %broadcast_in_dim3A_200 : vector<128x8192xi1>, vector<128x8192xi32>
    %reduce_min3A_202 = arith.constant dense<2147483647> : vector<128xi32>
    %reduce_min3A_203 = vector.multi_reduction <minsi>, %select_n3A_201, %reduce_min3A_202 [1] : vector<128x8192xi32> to vector<128xi32>
    %broadcast_in_dim3A_204 = vector.shape_cast %reduce_min3A_203 : vector<128xi32> to vector<128x1xi32>
    %eq3A_205 = vector.broadcast %broadcast_in_dim3A_204 : vector<128x1xi32> to vector<128x8192xi32>
    %eq3A_206 = arith.cmpi eq, %iota3A, %eq3A_205 : vector<128x8192xi32>
    %jit3A_207 = arith.constant 0x7F800000 : f32
    %broadcast_in_dim3A_208 = vector.broadcast %jit3A_207 : f32 to vector<128x8192xf32>
    %select_n3A_209 = arith.select %eq3A_206, %broadcast_in_dim3A_208, %select_n3A_193 : vector<128x8192xi1>, vector<128x8192xf32>
    %reduce_min3A_210 = arith.constant dense<0x7F800000> : vector<128xf32>
    %reduce_min3A_211 = vector.multi_reduction <minimumf>, %select_n3A_209, %reduce_min3A_210 [1] : vector<128x8192xf32> to vector<128xf32>
    %broadcast_in_dim3A_212 = vector.shape_cast %reduce_min3A_211 : vector<128xf32> to vector<128x1xf32>
    %eq3A_213 = vector.broadcast %broadcast_in_dim3A_212 : vector<128x1xf32> to vector<128x8192xf32>
    %eq3A_214 = arith.cmpf oeq, %select_n3A_209, %eq3A_213 : vector<128x8192xf32>
    %jit3A_215 = arith.constant 1073741824 : i32
    %broadcast_in_dim3A_216 = vector.broadcast %jit3A_215 : i32 to vector<128x8192xi32>
    %select_n3A_217 = arith.select %eq3A_214, %iota3A, %broadcast_in_dim3A_216 : vector<128x8192xi1>, vector<128x8192xi32>
    %reduce_min3A_218 = arith.constant dense<2147483647> : vector<128xi32>
    %reduce_min3A_219 = vector.multi_reduction <minsi>, %select_n3A_217, %reduce_min3A_218 [1] : vector<128x8192xi32> to vector<128xi32>
    %broadcast_in_dim3A_220 = vector.shape_cast %reduce_min3A_219 : vector<128xi32> to vector<128x1xi32>
    %eq3A_221 = vector.broadcast %broadcast_in_dim3A_220 : vector<128x1xi32> to vector<128x8192xi32>
    %eq3A_222 = arith.cmpi eq, %iota3A, %eq3A_221 : vector<128x8192xi32>
    %jit3A_223 = arith.constant 0x7F800000 : f32
    %broadcast_in_dim3A_224 = vector.broadcast %jit3A_223 : f32 to vector<128x8192xf32>
    %select_n3A_225 = arith.select %eq3A_222, %broadcast_in_dim3A_224, %select_n3A_209 : vector<128x8192xi1>, vector<128x8192xf32>
    %reduce_min3A_226 = arith.constant dense<0x7F800000> : vector<128xf32>
    %reduce_min3A_227 = vector.multi_reduction <minimumf>, %select_n3A_225, %reduce_min3A_226 [1] : vector<128x8192xf32> to vector<128xf32>
    %broadcast_in_dim3A_228 = vector.shape_cast %reduce_min3A_227 : vector<128xf32> to vector<128x1xf32>
    %eq3A_229 = vector.broadcast %broadcast_in_dim3A_228 : vector<128x1xf32> to vector<128x8192xf32>
    %eq3A_230 = arith.cmpf oeq, %select_n3A_225, %eq3A_229 : vector<128x8192xf32>
    %jit3A_231 = arith.constant 1073741824 : i32
    %broadcast_in_dim3A_232 = vector.broadcast %jit3A_231 : i32 to vector<128x8192xi32>
    %select_n3A_233 = arith.select %eq3A_230, %iota3A, %broadcast_in_dim3A_232 : vector<128x8192xi1>, vector<128x8192xi32>
    %reduce_min3A_234 = arith.constant dense<2147483647> : vector<128xi32>
    %reduce_min3A_235 = vector.multi_reduction <minsi>, %select_n3A_233, %reduce_min3A_234 [1] : vector<128x8192xi32> to vector<128xi32>
    %broadcast_in_dim3A_236 = vector.shape_cast %reduce_min3A_235 : vector<128xi32> to vector<128x1xi32>
    %eq3A_237 = vector.broadcast %broadcast_in_dim3A_236 : vector<128x1xi32> to vector<128x8192xi32>
    %eq3A_238 = arith.cmpi eq, %iota3A, %eq3A_237 : vector<128x8192xi32>
    %jit3A_239 = arith.constant 0x7F800000 : f32
    %broadcast_in_dim3A_240 = vector.broadcast %jit3A_239 : f32 to vector<128x8192xf32>
    %select_n3A_241 = arith.select %eq3A_238, %broadcast_in_dim3A_240, %select_n3A_225 : vector<128x8192xi1>, vector<128x8192xf32>
    %reduce_min3A_242 = arith.constant dense<0x7F800000> : vector<128xf32>
    %reduce_min3A_243 = vector.multi_reduction <minimumf>, %select_n3A_241, %reduce_min3A_242 [1] : vector<128x8192xf32> to vector<128xf32>
    %broadcast_in_dim3A_244 = vector.shape_cast %reduce_min3A_243 : vector<128xf32> to vector<128x1xf32>
    %eq3A_245 = vector.broadcast %broadcast_in_dim3A_244 : vector<128x1xf32> to vector<128x8192xf32>
    %eq3A_246 = arith.cmpf oeq, %select_n3A_241, %eq3A_245 : vector<128x8192xf32>
    %jit3A_247 = arith.constant 1073741824 : i32
    %broadcast_in_dim3A_248 = vector.broadcast %jit3A_247 : i32 to vector<128x8192xi32>
    %select_n3A_249 = arith.select %eq3A_246, %iota3A, %broadcast_in_dim3A_248 : vector<128x8192xi1>, vector<128x8192xi32>
    %reduce_min3A_250 = arith.constant dense<2147483647> : vector<128xi32>
    %reduce_min3A_251 = vector.multi_reduction <minsi>, %select_n3A_249, %reduce_min3A_250 [1] : vector<128x8192xi32> to vector<128xi32>
    %broadcast_in_dim3A_252 = vector.shape_cast %reduce_min3A_251 : vector<128xi32> to vector<128x1xi32>
    %eq3A_253 = vector.broadcast %broadcast_in_dim3A_252 : vector<128x1xi32> to vector<128x8192xi32>
    %eq3A_254 = arith.cmpi eq, %iota3A, %eq3A_253 : vector<128x8192xi32>
    %jit3A_255 = arith.constant 0x7F800000 : f32
    %broadcast_in_dim3A_256 = vector.broadcast %jit3A_255 : f32 to vector<128x8192xf32>
    %select_n3A_257 = arith.select %eq3A_254, %broadcast_in_dim3A_256, %select_n3A_241 : vector<128x8192xi1>, vector<128x8192xf32>
    %reduce_min3A_258 = arith.constant dense<0x7F800000> : vector<128xf32>
    %reduce_min3A_259 = vector.multi_reduction <minimumf>, %select_n3A_257, %reduce_min3A_258 [1] : vector<128x8192xf32> to vector<128xf32>
    %broadcast_in_dim3A_260 = vector.shape_cast %reduce_min3A_259 : vector<128xf32> to vector<128x1xf32>
    %eq3A_261 = vector.broadcast %broadcast_in_dim3A_260 : vector<128x1xf32> to vector<128x8192xf32>
    %eq3A_262 = arith.cmpf oeq, %select_n3A_257, %eq3A_261 : vector<128x8192xf32>
    %jit3A_263 = arith.constant 1073741824 : i32
    %broadcast_in_dim3A_264 = vector.broadcast %jit3A_263 : i32 to vector<128x8192xi32>
    %select_n3A_265 = arith.select %eq3A_262, %iota3A, %broadcast_in_dim3A_264 : vector<128x8192xi1>, vector<128x8192xi32>
    %reduce_min3A_266 = arith.constant dense<2147483647> : vector<128xi32>
    %reduce_min3A_267 = vector.multi_reduction <minsi>, %select_n3A_265, %reduce_min3A_266 [1] : vector<128x8192xi32> to vector<128xi32>
    %broadcast_in_dim3A_268 = vector.shape_cast %reduce_min3A_267 : vector<128xi32> to vector<128x1xi32>
    %eq3A_269 = vector.broadcast %broadcast_in_dim3A_268 : vector<128x1xi32> to vector<128x8192xi32>
    %eq3A_270 = arith.cmpi eq, %iota3A, %eq3A_269 : vector<128x8192xi32>
    %jit3A_271 = arith.constant 0x7F800000 : f32
    %broadcast_in_dim3A_272 = vector.broadcast %jit3A_271 : f32 to vector<128x8192xf32>
    %select_n3A_273 = arith.select %eq3A_270, %broadcast_in_dim3A_272, %select_n3A_257 : vector<128x8192xi1>, vector<128x8192xf32>
    %reduce_min3A_274 = arith.constant dense<0x7F800000> : vector<128xf32>
    %reduce_min3A_275 = vector.multi_reduction <minimumf>, %select_n3A_273, %reduce_min3A_274 [1] : vector<128x8192xf32> to vector<128xf32>
    %broadcast_in_dim3A_276 = vector.shape_cast %reduce_min3A_275 : vector<128xf32> to vector<128x1xf32>
    %eq3A_277 = vector.broadcast %broadcast_in_dim3A_276 : vector<128x1xf32> to vector<128x8192xf32>
    %eq3A_278 = arith.cmpf oeq, %select_n3A_273, %eq3A_277 : vector<128x8192xf32>
    %jit3A_279 = arith.constant 1073741824 : i32
    %broadcast_in_dim3A_280 = vector.broadcast %jit3A_279 : i32 to vector<128x8192xi32>
    %select_n3A_281 = arith.select %eq3A_278, %iota3A, %broadcast_in_dim3A_280 : vector<128x8192xi1>, vector<128x8192xi32>
    %reduce_min3A_282 = arith.constant dense<2147483647> : vector<128xi32>
    %reduce_min3A_283 = vector.multi_reduction <minsi>, %select_n3A_281, %reduce_min3A_282 [1] : vector<128x8192xi32> to vector<128xi32>
    %broadcast_in_dim3A_284 = vector.shape_cast %reduce_min3A_283 : vector<128xi32> to vector<128x1xi32>
    %concatenate3A = tpu.concatenate %broadcast_in_dim3A_44, %broadcast_in_dim3A_60, %broadcast_in_dim3A_76, %broadcast_in_dim3A_92, %broadcast_in_dim3A_108, %broadcast_in_dim3A_124, %broadcast_in_dim3A_140, %broadcast_in_dim3A_156, %broadcast_in_dim3A_172, %broadcast_in_dim3A_188, %broadcast_in_dim3A_204, %broadcast_in_dim3A_220, %broadcast_in_dim3A_236, %broadcast_in_dim3A_252, %broadcast_in_dim3A_268, %broadcast_in_dim3A_284 in 1 : vector<128x1xi32>, vector<128x1xi32>, vector<128x1xi32>, vector<128x1xi32>, vector<128x1xi32>, vector<128x1xi32>, vector<128x1xi32>, vector<128x1xi32>, vector<128x1xi32>, vector<128x1xi32>, vector<128x1xi32>, vector<128x1xi32>, vector<128x1xi32>, vector<128x1xi32>, vector<128x1xi32>, vector<128x1xi32> -> vector<128x16xi32>
    %mul3A_285 = arith.constant 8192 : i32
    %mul3A_286 = arith.muli %arg0, %mul3A_285 : i32
    %add3A_287 = vector.broadcast %mul3A_286 : i32 to vector<128x16xi32>
    %add3A_288 = arith.addi %concatenate3A, %add3A_287 : vector<128x16xi32>
    %swap3A = arith.constant 0 : index
    %swap3A_289 = arith.constant 0 : index
    %swap3A_290 = arith.constant 0 : index
    %swap3A_291 = vector.load %arg8[%swap3A, %swap3A_289, %swap3A_290] : memref<1x128x16xi32, #tpu.memory_space<vmem>>, vector<1x128x16xi32>
    %swap3A_292 = vector.shape_cast %swap3A_291 : vector<1x128x16xi32> to vector<128x16xi32>
    %swap3A_293 = vector.shape_cast %add3A_288 : vector<128x16xi32> to vector<1x128x16xi32>
    tpu.vector_store %arg8[%swap3A, %swap3A_289, %swap3A_290], %swap3A_293 {strides = array<i32>} : memref<1x128x16xi32, #tpu.memory_space<vmem>>, vector<1x128x16xi32>,
    return
  }
  func.func @transform_0(%arg0: i32, %arg1: i32) -> (i32, i32, i32) {
    %c0_i32 = arith.constant 0 : i32
    %c0_i32_0 = arith.constant 0 : i32
    return %arg0, %arg1, %c0_i32 : i32, i32, i32
  }
  func.func @transform_1(%arg0: i32, %arg1: i32) -> (i32, i32, i32) {
    %c0_i32 = arith.constant 0 : i32
    %c0_i32_0 = arith.constant 0 : i32
    return %arg0, %arg1, %c0_i32 : i32, i32, i32
  }
  func.func @transform_2(%arg0: i32, %arg1: i32) -> (i32, i32, i32) {
    %c0_i32 = arith.constant 0 : i32
    %c0_i32_0 = arith.constant 0 : i32
    return %arg0, %arg1, %c0_i32 : i32, i32, i32
  }
  func.func @transform_3(%arg0: i32, %arg1: i32) -> (i32, i32, i32) {
    %c0_i32 = arith.constant 0 : i32
    %c0_i32_0 = arith.constant 0 : i32
    %c0_i32_1 = arith.constant 0 : i32
    return %arg0, %c0_i32, %c0_i32_0 : i32, i32, i32
  }
  func.func @transform_4(%arg0: i32, %arg1: i32) -> (i32, i32, i32) {
    %c0_i32 = arith.constant 0 : i32
    %c0_i32_0 = arith.constant 0 : i32
    %c0_i32_1 = arith.constant 0 : i32
    return %arg0, %c0_i32, %c0_i32_0 : i32, i32, i32
  }
  func.func @transform_5(%arg0: i32, %arg1: i32) -> (i32, i32, i32) {
    %c0_i32 = arith.constant 0 : i32
    %c0_i32_0 = arith.constant 0 : i32
    %c0_i32_1 = arith.constant 0 : i32
    return %arg0, %c0_i32, %c0_i32_0 : i32, i32, i32
  }
  func.func @transform_6(%arg0: i32, %arg1: i32) -> (i32, i32, i32) {
    %c0_i32 = arith.constant 0 : i32
    %c0_i32_0 = arith.constant 0 : i32
    return %arg0, %arg1, %c0_i32 : i32, i32, i32
  }
}

module attributes {stable_mosaic.version = 14 : i64} {
  func.func @_mlp_body(%arg0: i32, %arg1: memref<1024x128xf32, #tpu.memory_space<vmem>>, %arg2: memref<64x3xf32, #tpu.memory_space<vmem>>, %arg3: memref<128x128xf32, #tpu.memory_space<vmem>>, %arg4: memref<1x128xf32, #tpu.memory_space<vmem>>, %arg5: memref<1x128xf32, #tpu.memory_space<vmem>>, %arg6: memref<64x128xf32, #tpu.memory_space<vmem>>) attributes {dimension_semantics = [#tpu.dimension_semantics<arbitrary>], iteration_bounds = array<i64: 128>, scalar_prefetch = 0 : i64, scratch_operands = 0 : i64, tpu.core_type = #tpu.core_type<tc>, window_params = [{transform_indices = @transform_0, window_bounds = array<i64: 1024, 128>}, {transform_indices = @transform_1, window_bounds = array<i64: 64, 3>}, {pipeline_mode = #tpu.pipeline_mode<synchronous>, transform_indices = @transform_2, window_bounds = array<i64: 128, 128>}, {pipeline_mode = #tpu.pipeline_mode<synchronous>, transform_indices = @transform_3, window_bounds = array<i64: 1, 128>}, {pipeline_mode = #tpu.pipeline_mode<synchronous>, transform_indices = @transform_4, window_bounds = array<i64: 1, 128>}, {transform_indices = @transform_5, window_bounds = array<i64: 64, 128>}]} {
    %get3A = arith.constant 0 : index
    %get3A_0 = arith.constant 0 : index
    %get3A_1 = vector.load %arg1[%get3A, %get3A_0] : memref<1024x128xf32, #tpu.memory_space<vmem>>, vector<1024x128xf32>
    %get3A_2 = arith.constant 0 : index
    %get3A_3 = arith.constant 0 : index
    %get3A_4 = vector.load %arg3[%get3A_2, %get3A_3] : memref<128x128xf32, #tpu.memory_space<vmem>>, vector<128x128xf32>
    %dot_general3A = arith.constant dense<0.000000e+00> : vector<1024x128xf32>
    %dot_general3A_5 = tpu.matmul %get3A_1, %get3A_4, %dot_general3A {dimension_numbers = #tpu.dot_dimension_numbers<[1], [0], [0], [1], [0, 0, 1, 1], [], []>, transpose_lhs_hint = false} : vector<1024x128xf32>, vector<128x128xf32>, vector<1024x128xf32> -> vector<1024x128xf32>
    %get3A_6 = arith.constant 0 : index
    %get3A_7 = arith.constant 0 : index
    %get3A_8 = vector.load %arg2[%get3A_6, %get3A_7] : memref<64x3xf32, #tpu.memory_space<vmem>>, vector<64x3xf32>
    %get3A_9 = arith.constant 0 : index
    %get3A_10 = arith.constant 0 : index
    %get3A_11 = vector.load %arg3[%get3A_9, %get3A_10] : memref<128x128xf32, #tpu.memory_space<vmem>>, vector<128x128xf32>
    %slice3A = vector.extract_strided_slice %get3A_8 {offsets = [0, 0], sizes = [64, 1], strides = [1, 1]} : vector<64x3xf32> to vector<64x1xf32>
    %slice3A_12 = vector.extract_strided_slice %get3A_11 {offsets = [0, 0], sizes = [1, 128], strides = [1, 1]} : vector<128x128xf32> to vector<1x128xf32>
    %mul3A = vector.broadcast %slice3A : vector<64x1xf32> to vector<64x128xf32>
    %mul3A_13 = vector.broadcast %slice3A_12 : vector<1x128xf32> to vector<64x128xf32>
    %mul3A_14 = arith.mulf %mul3A, %mul3A_13 : vector<64x128xf32>
    %slice3A_15 = vector.extract_strided_slice %get3A_8 {offsets = [0, 1], sizes = [64, 1], strides = [1, 1]} : vector<64x3xf32> to vector<64x1xf32>
    %slice3A_16 = vector.extract_strided_slice %get3A_11 {offsets = [1, 0], sizes = [1, 128], strides = [1, 1]} : vector<128x128xf32> to vector<1x128xf32>
    %mul3A_17 = vector.broadcast %slice3A_15 : vector<64x1xf32> to vector<64x128xf32>
    %mul3A_18 = vector.broadcast %slice3A_16 : vector<1x128xf32> to vector<64x128xf32>
    %mul3A_19 = arith.mulf %mul3A_17, %mul3A_18 : vector<64x128xf32>
    %add3A = arith.addf %mul3A_14, %mul3A_19 : vector<64x128xf32>
    %slice3A_20 = vector.extract_strided_slice %get3A_8 {offsets = [0, 2], sizes = [64, 1], strides = [1, 1]} : vector<64x3xf32> to vector<64x1xf32>
    %slice3A_21 = vector.extract_strided_slice %get3A_11 {offsets = [2, 0], sizes = [1, 128], strides = [1, 1]} : vector<128x128xf32> to vector<1x128xf32>
    %mul3A_22 = vector.broadcast %slice3A_20 : vector<64x1xf32> to vector<64x128xf32>
    %mul3A_23 = vector.broadcast %slice3A_21 : vector<1x128xf32> to vector<64x128xf32>
    %mul3A_24 = arith.mulf %mul3A_22, %mul3A_23 : vector<64x128xf32>
    %add3A_25 = arith.addf %add3A, %mul3A_24 : vector<64x128xf32>
    %reshape3A = vector.shape_cast %dot_general3A_5 : vector<1024x128xf32> to vector<64x16x128xf32>
    %broadcast_in_dim3A = vector.shape_cast %add3A_25 : vector<64x128xf32> to vector<64x1x128xf32>
    %sub3A = vector.broadcast %broadcast_in_dim3A : vector<64x1x128xf32> to vector<64x16x128xf32>
    %sub3A_26 = arith.subf %reshape3A, %sub3A : vector<64x16x128xf32>
    %get3A_27 = arith.constant 0 : index
    %get3A_28 = arith.constant 0 : index
    %get3A_29 = vector.load %arg4[%get3A_27, %get3A_28] : memref<1x128xf32, #tpu.memory_space<vmem>>, vector<1x128xf32>
    %broadcast_in_dim3A_30 = vector.shape_cast %get3A_29 : vector<1x128xf32> to vector<1x1x128xf32>
    %mul3A_31 = vector.broadcast %broadcast_in_dim3A_30 : vector<1x1x128xf32> to vector<64x16x128xf32>
    %mul3A_32 = arith.mulf %sub3A_26, %mul3A_31 : vector<64x16x128xf32>
    %get3A_33 = arith.constant 0 : index
    %get3A_34 = arith.constant 0 : index
    %get3A_35 = vector.load %arg5[%get3A_33, %get3A_34] : memref<1x128xf32, #tpu.memory_space<vmem>>, vector<1x128xf32>
    %broadcast_in_dim3A_36 = vector.shape_cast %get3A_35 : vector<1x128xf32> to vector<1x1x128xf32>
    %add3A_37 = vector.broadcast %broadcast_in_dim3A_36 : vector<1x1x128xf32> to vector<64x16x128xf32>
    %add3A_38 = arith.addf %mul3A_32, %add3A_37 : vector<64x16x128xf32>
    %max3A = arith.constant 0.000000e+00 : f32
    %max3A_39 = vector.broadcast %max3A : f32 to vector<64x16x128xf32>
    %max3A_40 = arith.maximumf %add3A_38, %max3A_39 : vector<64x16x128xf32>
    %reduce_max3A = arith.constant dense<0xFF800000> : vector<64x128xf32>
    %reduce_max3A_41 = vector.multi_reduction <maximumf>, %max3A_40, %reduce_max3A [1] : vector<64x16x128xf32> to vector<64x128xf32>
    %swap3A = arith.constant 0 : index
    %swap3A_42 = arith.constant 0 : index
    %swap3A_43 = vector.load %arg6[%swap3A, %swap3A_42] : memref<64x128xf32, #tpu.memory_space<vmem>>, vector<64x128xf32>
    tpu.vector_store %arg6[%swap3A, %swap3A_42], %reduce_max3A_41 {strides = array<i32>} : memref<64x128xf32, #tpu.memory_space<vmem>>, vector<64x128xf32>,
    return
  }
  func.func @transform_0(%arg0: i32) -> (i32, i32) {
    %c0_i32 = arith.constant 0 : i32
    %c0_i32_0 = arith.constant 0 : i32
    return %arg0, %c0_i32 : i32, i32
  }
  func.func @transform_1(%arg0: i32) -> (i32, i32) {
    %c0_i32 = arith.constant 0 : i32
    %c0_i32_0 = arith.constant 0 : i32
    return %arg0, %c0_i32 : i32, i32
  }
  func.func @transform_2(%arg0: i32) -> (i32, i32) {
    %c0_i32 = arith.constant 0 : i32
    %c0_i32_0 = arith.constant 0 : i32
    %c0_i32_1 = arith.constant 0 : i32
    return %c0_i32, %c0_i32_0 : i32, i32
  }
  func.func @transform_3(%arg0: i32) -> (i32, i32) {
    %c0_i32 = arith.constant 0 : i32
    %c0_i32_0 = arith.constant 0 : i32
    %c0_i32_1 = arith.constant 0 : i32
    return %c0_i32, %c0_i32_0 : i32, i32
  }
  func.func @transform_4(%arg0: i32) -> (i32, i32) {
    %c0_i32 = arith.constant 0 : i32
    %c0_i32_0 = arith.constant 0 : i32
    %c0_i32_1 = arith.constant 0 : i32
    return %c0_i32, %c0_i32_0 : i32, i32
  }
  func.func @transform_5(%arg0: i32) -> (i32, i32) {
    %c0_i32 = arith.constant 0 : i32
    %c0_i32_0 = arith.constant 0 : i32
    return %arg0, %c0_i32 : i32, i32
  }
}

</mosaic_0001>

<sc_bundles>
// kernel: kernel.6.cloned.1.call-start
scs
__scs_entry_jumppad:
0x0: {  	(pc) =	sbr.rel $0x88, $3  }
0x1: {  	(tag) =	ssettag $0x0;
	lr =	simm.s32 $0x1  }
0x2: {  	[smem:$0x3F9C] =	sst lr;
	_ =	strace $0xD0000000  }
0x3: {  	_ = 	snop  }
0x4: {  	_ = 	snop  }
0x5: {  	_ = 	snop  }
0x6: {  	_ = 	snop  }
0x7: {  	_ = 	snop  }
__scs_overlays_trampoline_lowered:
0x8: {  	[smem:$0x3FAB] =	sst s0  }
0x9: {  	[smem:$0x3FAC] =	sst s1  }
0xa: {  	[smem:$0x3FAD] =	sst s2  }
0xb: {  	[smem:$0x3FAE] =	sst s3  }
0xc: {  	[smem:$0x3FAF] =	sst s4  }
0xd: {  	[smem:$0x3FB0] =	sst s5  }
0xe: {  	[smem:$0x3FB1] =	sst s6  }
0xf: {  	[smem:$0x3FB2] =	sst s7  }
0x10: {  	[smem:$0x3FB3] =	sst s8  }
0x11: {  	[smem:$0x3FB4] =	sst s9;
	s0 =	simm.s32 @!p0 $0x0  }
0x12: {  	s1 =	sld [smem:$0x3F9A];
	s0 =	simm.s32 @p0 $0x1  }
0x13: {  	[smem:$0x3FB5] =	sst s0;
	s0 =	simm.s32 @!p1 $0x0  }
0x14: {  	s2 =	sld [smem:$0x3F99];
	s0 =	simm.s32 @p1 $0x1  }
0x15: {  	[smem:$0x3FB6] =	sst s0;
	s0 =	simm.s32 @!p2 $0x0  }
0x16: {  	s3 =	sld [smem:$0x3FDB];
	s0 =	simm.s32 @p2 $0x1  }
0x17: {  	s4 =	simm.s32 $0x1BF5;
	[smem:$0x3FB8] =	sst s0  }
0x18: {  	s0 =	sld [smem:$0x3F9B];
	_ =	swait.ge [sflag:s4], $0x0  }
0x19: {  	s7 =	sld [smem:$0x3F9C]  }
0x1a: {  	s8 =	sadd.s32 $0xFFFFE003, lr  }
0x1b: {  	s9 =	sadd.s32 $0xFFFFFEF7, lr;
	s5 =	simm.s32 $0xFFFFFFFF;
	p2 =	slt.u32 s8, $0xFFFFF086  }
0x1c: {  	p1 =	slt.u32 s9, $0xF7A;
	s5 =	simm.s32 @!p2 $0x0  }
0x1d: {  	s5 =	simm.s32 @p1 $0x1;
	p0 =	seq.s32 s7, s2  }
0x1e: {  	s7 =	smul.u32 @!p0 $0xF7A, s2;
	p2 =	seq.s32 @!p0 s5, $0x0  }
0x1f: {  	s9 =	smul.u32 $0xF7A, s1;
	s8 =	simm.s32 @!p0 $0x1BF5;
	p2 =	por !p2, p0  }
0x20: {  	[sflag:s8] =	ssyncset.s32 @!p0 $0xFFFFF086;
	s6 =	sadd.s32 @!p0 s3, s7;
	s7 =	simm.s32 @!p0 $0x108  }
0x21: {  	s3 =	sadd.s32 s3, s9;
	s6 =	sadd.s32 @!p0 $0x88, s6;
	s7 =	simm.s32 @p2 $0x1082  }
0x22: {  	[simem:s7], [sflag:s8] =	dma.local @!p0 [hbm:s6], $0xF7A  }
0x23: {  	s9 =	sor.u32 $0xD0000000, s2;
	s6 =	simm.s32 $0x108;
	_ =	swait.ge @!p0 [sflag:s8], $0x0  }
0x24: {  	s3 =	sadd.s32 $0x88, s3;
	s6 =	simm.s32 @!p1 $0x1082;
	[sflag:s4] =	ssyncset.s32 $0xFFFFF086  }
0x25: {  	[simem:s6], [sflag:s4] =	dma.local [hbm:s3], $0xF7A  }
0x26: {  	[smem:$0x3F9C] =	sst s1;
	(tag) =	ssettag s2;
	_ =	strace s9  }
0x27: {  	s1 =	sld [smem:$0x3FAC]  }
0x28: {  	s2 =	sld [smem:$0x3FAD]  }
0x29: {  	s4 =	sld [smem:$0x3FAF]  }
0x2a: {  	p0 =	seq.s32 s5, $0x0;
	s5 =	sld [smem:$0x3FB0]  }
0x2b: {  	s6 =	sld [smem:$0x3FB1]  }
0x2c: {  	s7 =	sld [smem:$0x3FB2]  }
0x2d: {  	s3 =	simm.s32 $0x108;
	s8 =	sld [smem:$0x3FB3]  }
0x2e: {  	s3 =	simm.s32 @!p0 $0x1082;
	s9 =	sld [smem:$0x3FB4]  }
0x2f: {  	lr =	sadd.s32 s0, s3;
	s0 =	sld [smem:$0x3FAB]  }
0x30: {  	s3 =	sld [smem:$0x3FAE]  }
0x31: {  	[smem:$0x3FB7] =	sst s10  }
0x32: {  	s10 =	sld [smem:$0x3FB5];
	_ =	sdelay $0x3  }
0x33: {  	p0 =	seq.s32 s10, $0x1;
	s10 =	sld [smem:$0x3FB7];
	_ =	sdelay $0x3  }
0x34: {  	[smem:$0x3FB7] =	sst s10  }
0x35: {  	s10 =	sld [smem:$0x3FB6];
	_ =	sdelay $0x3  }
0x36: {  	p1 =	seq.s32 s10, $0x1;
	s10 =	sld [smem:$0x3FB7];
	_ =	sdelay $0x3  }
0x37: {  	[smem:$0x3FB7] =	sst s10  }
0x38: {  	s10 =	sld [smem:$0x3FB8]  }
0x39: {  	_ = 	snop;
	(pc) =	sbr.ind lr, $3  }
0x3a: {  	_ = 	snop  }
0x3b: {  	_ = 	snop  }
0x3c: {  	p2 =	seq.s32 s10, $0x1;
	s10 =	sld [smem:$0x3FB7]  }
0x3d: {  	_ =	shalt  }
0x3e: {  	_ =	shalt  }
0x3f: {  	_ =	shalt  }
0x40: {  	_ =	shalt  }
0x41: {  	_ =	shalt  }
0x42: {  	_ =	shalt  }
0x43: {  	_ =	shalt  }
0x44: {  	_ =	shalt  }
0x45: {  	_ =	shalt  }
0x46: {  	_ =	shalt  }
0x47: {  	_ =	shalt  }
0x48: {  	_ =	shalt  }
0x49: {  	_ =	shalt  }
0x4a: {  	_ =	shalt  }
0x4b: {  	_ =	shalt  }
0x4c: {  	_ =	shalt  }
0x4d: {  	_ =	shalt  }
0x4e: {  	_ =	shalt  }
0x4f: {  	_ =	shalt  }
0x50: {  	_ =	shalt  }
0x51: {  	_ =	shalt  }
0x52: {  	_ =	shalt  }
0x53: {  	_ =	shalt  }
0x54: {  	_ =	shalt  }
0x55: {  	_ =	shalt  }
0x56: {  	_ =	shalt  }
0x57: {  	_ =	shalt  }
0x58: {  	_ =	shalt  }
0x59: {  	_ =	shalt  }
0x5a: {  	_ =	shalt  }
0x5b: {  	_ =	shalt  }
0x5c: {  	_ =	shalt  }
0x5d: {  	_ =	shalt  }
0x5e: {  	_ =	shalt  }
0x5f: {  	_ =	shalt  }
0x60: {  	_ =	shalt  }
0x61: {  	_ =	shalt  }
0x62: {  	_ =	shalt  }
0x63: {  	_ =	shalt  }
0x64: {  	_ =	shalt  }
0x65: {  	_ =	shalt  }
0x66: {  	_ =	shalt  }
0x67: {  	_ =	shalt  }
0x68: {  	_ =	shalt  }
0x69: {  	_ =	shalt  }
0x6a: {  	_ =	shalt  }
0x6b: {  	_ =	shalt  }
0x6c: {  	_ =	shalt  }
0x6d: {  	_ =	shalt  }
0x6e: {  	_ =	shalt  }
0x6f: {  	_ =	shalt  }
0x70: {  	_ =	shalt  }
0x71: {  	_ =	shalt  }
0x72: {  	_ =	shalt  }
0x73: {  	_ =	shalt  }
0x74: {  	_ =	shalt  }
0x75: {  	_ =	shalt  }
0x76: {  	_ =	shalt  }
0x77: {  	_ =	shalt  }
0x78: {  	_ =	shalt  }
0x79: {  	_ =	shalt  }
0x7a: {  	_ =	shalt  }
0x7b: {  	_ =	shalt  }
0x7c: {  	_ =	shalt  }
0x7d: {  	_ =	shalt  }
0x7e: {  	_ =	shalt  }
0x7f: {  	_ =	shalt  }
0x80: {  	_ =	shalt  }
0x81: {  	_ =	shalt  }
0x82: {  	_ =	shalt  }
0x83: {  	_ =	shalt  }
0x84: {  	_ =	shalt  }
0x85: {  	_ =	shalt  }
0x86: {  	_ =	shalt  }
0x87: {  	_ =	shalt  }
.Lfunc_end0:
.L_simem_size_0:
called_computation_lowered:
.L_overlay_start_0:
0x88: {  	s2 =	sld [smem:$0x3FD9]  }
0x89: {  	s3 =	sld [smem:$0x3FFE];
	_ =	sdelay $0x1  }
0x8a: {  	s1 =	srdreg.scid  }
0x8b: {  	s0 =	sand.u32 $0x1, s1  }
0x8c: {  	s14 =	sshll.u32 s0, $0xA;
	s2 =	sadd.s32 s3, s2  }
0x8d: {  	s2 =	sadd.s32 s2, s14  }
0x8e: {  	[smem:$0x3FC3] =	sst s2  }
0x8f: {  	_ = 	snop  }
0x90: {  	s2 =	sld [smem:$0x3FD0];
	_ =	sdelay $0x2  }
0x91: {  	s15 =	simm.s32 $0xA;
	s4 =	simm.s32 $0x10  }
0x92: {  	[smem:s4], [sflag:s15] =	dma.local [hbm:s2], $0x1  }
0x93: {  	_ =	swait.eq [sflag:s15], $0x1  }
0x94: {  	[sflag:s15] =	ssyncset.done $0x0  }
0x95: {  	[sflag:s15] =	ssyncadd.s32 $0xFFFFFFFF  }
0x96: {  	s16 =	sld [smem:$0x11];
	(tm) =	ssettm $0x1  }
0x97: {  	s17 =	sld [smem:$0x3FFB];
	_ =	sdelay $0x3  }
0x98: {  	_ =	strace s17  }
0x99: {  	s3 =	sld [smem:$0x3FFC];
	_ =	sdelay $0x3  }
0x9a: {  	_ =	strace s3  }
0x9b: {  	s3 =	sld [smem:$0x3FFD];
	_ =	sdelay $0x3  }
0x9c: {  	_ =	strace s3  }
0x9d: {  	_ =	strace $0x8FFFFFFF  }
0x9e: {  	s18 =	sld [smem:$0x3FDB];
	_ =	sdelay $0x1  }
0x9f: {  	s19 =	simm.s32 $_scs_section_size  }
0xa0: {  	s5 =	simm.s32 $_size__tile_overlayer_lowered;
	s6 =	simm.s32 $_tile_overlayer_lowered  }
0xa1: {  	s22 =	simm.s32 $0x1BFF;
	s21 =	sshll.u32 s6, $0x1;
	s3 =	sadd.s32 s19, s18  }
0xa2: {  	s7 =	simm.s32 $0x0;
	s20 =	sshll.u32 s5, $0x1;
	s5 =	sadd.s32 s21, s3  }
0xa3: {  	[timem:s7], [sflag:s22] =	dma.local [hbm:s5], s20  }
0xa4: {  	_ =	swait.ge [sflag:s22], s20  }
0xa5: {  	s4 =	ssub.s32 $0x0, s20;
	[sflag:s22] =	ssyncset.done $0x0  }
0xa6: {  	[sflag:s22] =	ssyncadd.s32 s4;
	_ =	sdelay $0x1  }
0xa7: {  	s23 =	simm.s32 $0x1B8B  }
0xa8: {  	_ =	swait.ge [sflag:s23], $0x1  }
0xa9: {  	[sflag:s23] =	ssyncset.done $0x0  }
0xaa: {  	s25 =	simm.s32 $0x1B8E;
	s24 =	sld [smem:$0x3FFE];
	[sflag:s23] =	ssyncadd.s32 $0xFFFFFFFF  }
0xab: {  	s26 =	simm.s32 $execute0_lowered;
	[smem:$0x3FD2] =	sst s25  }
0xac: {  	s5 =	sshll.u32 s26, $0x1;
	_ =	strace $0x80000046;
	[dreg:$0x1] =	wrdreg $0xFFFFFFFF  }
0xad: {  	s28 =	simm.s32 $_size_execute0_lowered;
	s3 =	sadd.s32 s3, s5;
	[dreg:$0x0] =	wrdreg $0x0  }
0xae: {  	s5 =	sshll.u32 s28, $0x1;
	[dreg:$0x2] =	wrdreg s3  }
0xaf: {  	[dreg:$0x3] =	wrdreg s5  }
0xb0: {  	[dreg:$0x4] =	wrdreg $0xC0  }
0xb1: {  	_ =	task [dreg:s7], $0x5FFFF  }
0xb2: {  	[dreg:$0x1] =	wrdreg $0xFFFFFFFF  }
0xb3: {  	[dreg:$0x0] =	wrdreg $0x60  }
0xb4: {  	[dreg:$0x2] =	wrdreg s24  }
0xb5: {  	[dreg:$0x3] =	wrdreg s16  }
0xb6: {  	[dreg:$0x4] =	wrdreg $0x9  }
0xb7: {  	_ =	task.clear_ibuf [dreg:s7], $0x5FFFF;
	_ =	strace $0x90000046  }
0xb8: {  	s29 =	simm.s32 $0x9;
	_ =	strace $0x80000048  }
0xb9: {  	_ =	swait.ge [sflag:s29], $0x1  }
0xba: {  	[sflag:s29] =	ssyncadd.s32 $0xFFFFFFFF  }
0xbb: {  	_ =	strace $0x90000048  }
0xbc: {  	_ =	sfence  }
0xbd: {  	s30 =	sld [smem:$0x0];
	_ =	sdelay $0x2  }
0xbe: {  	s31 =	sshll.u32 s1, $0xD;
	s1 =	sshrl.u32 s1, $0x2  }
0xbf: {  	s3 =	sand.u32 $0x4000, s31;
	s1 =	sadd.s32 s1, s30  }
0xc0: {  	s0 =	sor.u32 s3, s0;
	s1 =	sshll.u32 s1, $0x11  }
0xc1: {  	s0 =	sor.u32 s1, s0  }
0xc2: {  	s0 =	sadd.s32 $0x8F2B, s0  }
0xc3: {  	[sflag:s0] =	ssyncadd.remote.s32 $0x1  }
0xc4: {  	_ =	sfence.sel $0xFFFF  }
0xc5: {  	[dreg:$0x0] =	wrdreg $0xFFFFFFFF;
	(pc) =	sbr.abs _section_cstart, $3  }
0xc6: {  	[dreg:$0x1] =	wrdreg $0xFFFFFFFF  }
0xc7: {  	_ =	task.clear_ibuf [dreg:s7], $0x2FFFF;
	_ =	strace $0x9FFFFFFF  }
0xc8: {  	(tm) =	ssettm $0x7FFFFFFF  }
0xc9: {  	_ =	shalt  }
tec
execute0_lowered:
.L_overlay_start_1:
0x0: {  	(tag) =	ssettag $0x1  }
0x1: {  	s4 =	rddreg [dreg:$0x0]  }
0x2: {  	s6 =	rddreg [dreg:$0x1]  }
0x3: {  	s0 =	rddreg [dreg:$0x2];
	s2 =	simm.s32 $0x0;
	s1 =	stileid.u32  }
0x4: {  	s3 =	srdreg.scid;
	[smem:$0x7FF] =	sst s2  }
0x5: {  	s5 =	sshll.u32 s1, $0x11;
	s7 =	sand.u32 $0x1, s3;
	s3 =	sadd.s32 $0x101600, s4  }
0x6: {  	s9 =	sshll.u32 s1, $0xD;
	_ =	strace $0x80000047;
	s5 =	sadd.s32 s5, s4  }
0x7: {  	s29 =	ssub.s32 $0x2, s7;
	s10 =	sshll.u32 s7, $0xC;
	s7 =	sshll.u32 s7, $0x10  }
0x8: {  	s8 =	sshrl.u32 s29, $0x1;
	s30 =	sor.u32 s10, s9;
	s5 =	sadd.s32 s7, s5  }
0x9: {  	s7 =	simm.s32 $0x2;
	s9 =	simm.s32 $0x1;
	s10 =	simm.s32 $0x0  }
0xa: {  	s4 =	ssub.s32 s29, s8;
	s31 =	sshrl.u32 s30, $0x3;
	s5 =	sadd.s32 $0x181600, s5  }
0xb: {  	s8 =	simm.s32 $0x80;
	s4 =	smax.u32 s4, $0x1;
	s6 =	sadd.s32 s31, s6  }
.LBB2_1:
0xc: {  	s11 =	sadd.s32 $0x0, s6  }
0xd: {  	[tilespmem:s2], [sflag:$0x2] =	stream.linear.gather [hbm4b:s11+s2], $0x80, $0x38;
	[tilespmem:$0x4080] =	vst v63  }
0xe: {  	_ =	swait.ge [sflag:s7], $0x80  }
0xf: {  	[sflag:s7] =	ssyncset.done $0x0  }
0x10: {  	[sflag:s7] =	ssyncadd.s32 $0xFFFFFF80  }
0x11: {  	[tilespmem:s8], [sflag:$0x1] =	stream.indirect.gather [hbm4b:s3+s8], $0x80, s2, s8, $0xb8;
	[tilespmem:$0x4080] =	vst v63  }
0x12: {  	_ =	swait.ge [sflag:s9], $0x4000  }
0x13: {  	[sflag:s9] =	ssyncset.done $0x0  }
0x14: {  	[sflag:s9] =	ssyncadd.s32 $0xFFFFC000  }
0x15: {  	[hbm4b:s5+s2] =	stream.linear.scatter [tilespmem:s8], [sflag:$0x2], $0x4000, $0x38;
	[tilespmem:$0x4080] =	vst v63  }
0x16: {  	s12 =	simm.s32 $0x10;
	_ =	swait.ge [sflag:s7], $0x4000  }
0x17: {  	s13 =	simm.s32 $0x20;
	s11 =	sadd.s32 $0x800, s5;
	[sflag:s7] =	ssyncset.done $0x0  }
.LBB2_2:
0x18: {  	s14 =	sadd.s32 s12, s6  }
0x19: {  	[sflag:s7] =	ssyncadd.s32 $0xFFFFC000;
	s12 =	smov.u32 s13;
	s15 =	sadd.s32 $0x10, s13  }
0x1a: {  	[tilespmem:s2], [sflag:$0x2] =	stream.linear.gather [hbm4b:s14+s2], $0x80, $0x38;
	[tilespmem:$0x4080] =	vst v63  }
0x1b: {  	p0 =	sne.s32 s13, $0x1F0;
	_ =	swait.ge [sflag:s7], $0x80  }
0x1c: {  	[sflag:s7] =	ssyncset.done $0x0  }
0x1d: {  	[sflag:s7] =	ssyncadd.s32 $0xFFFFFF80  }
0x1e: {  	[tilespmem:s8], [sflag:$0x1] =	stream.indirect.gather [hbm4b:s3+s8], $0x80, s2, s8, $0xb8;
	[tilespmem:$0x4080] =	vst v63  }
0x1f: {  	_ =	swait.ge [sflag:s9], $0x4000  }
.Ltmp0:
0x20: {  	[sflag:s9] =	ssyncset.done $0x0;
	(pc) =	sbr.rel @p0 .LBB2_2-.Ltmp0, $4  }
0x21: {  	[sflag:s9] =	ssyncadd.s32 $0xFFFFC000  }
0x22: {  	[hbm4b:s11+s2] =	stream.linear.scatter [tilespmem:s8], [sflag:$0x2], $0x4000, $0x38;
	[tilespmem:$0x4080] =	vst v63  }
0x23: {  	_ =	swait.ge [sflag:s7], $0x4000  }
0x24: {  	s13 =	smov.u32 s15;
	s11 =	sadd.s32 $0x800, s11;
	[sflag:s7] =	ssyncset.done $0x0  }
0x25: {  	s12 =	sadd.s32 s12, s6;
	[sflag:s7] =	ssyncadd.s32 $0xFFFFC000  }
0x26: {  	[tilespmem:s2], [sflag:$0x2] =	stream.linear.gather [hbm4b:s12+s2], $0x80, $0x38;
	[tilespmem:$0x4080] =	vst v63  }
0x27: {  	_ =	swait.ge [sflag:s7], $0x80  }
0x28: {  	[sflag:s7] =	ssyncset.done $0x0  }
0x29: {  	[sflag:s7] =	ssyncadd.s32 $0xFFFFFF80  }
0x2a: {  	[tilespmem:s8], [sflag:$0x1] =	stream.indirect.gather [hbm4b:s3+s8], $0x80, s2, s8, $0xb8;
	[tilespmem:$0x4080] =	vst v63  }
0x2b: {  	s10 =	sadd.s32 $0x1, s10;
	_ =	swait.ge [sflag:s9], $0x4000  }
0x2c: {  	p0 =	sne.s32 s10, s4;
	[sflag:s9] =	ssyncset.done $0x0  }
.Ltmp1:
0x2d: {  	[sflag:s9] =	ssyncadd.s32 $0xFFFFC000;
	(pc) =	sbr.rel @p0 .LBB2_1-.Ltmp1, $4  }
0x2e: {  	[hbm4b:s11+s2] =	stream.linear.scatter [tilespmem:s8], [sflag:$0x2], $0x4000, $0x38;
	[tilespmem:$0x4080] =	vst v63  }
0x2f: {  	_ =	swait.ge [sflag:s7], $0x4000  }
0x30: {  	[sflag:s7] =	ssyncset.done $0x0  }
0x31: {  	[sflag:s7] =	ssyncadd.s32 $0xFFFFC000  }
0x32: {  	_ =	sfence.sel $0x180000  }
0x33: {  	[bflag:$0x0] =	sbarrier.arrive $0xFFFF  }
0x34: {  	p0 =	sne.s32 s1, $0x0;
	_ =	strace $0x90000047  }
0x35: {  	s0 =	sadd.s32 @!p0 $0x100000, s0;
	[bflag:$0x2] =	sbarrier.arrive $0xFFFF  }
0x36: {  	[sflag:s0] =	ssyncadd.tile.s32 @!p0 $0x1;
	_ =	shalt  }
.Lfunc_end2:
_tile_overlayer_lowered:
.L_overlay_start_2:
0x37: {  	(tag) =	ssettag $0x2  }
0x38: {  	s0 =	rddreg [dreg:$0x0];
	s2 =	stileid.u32  }
0x39: {  	s1 =	rddreg [dreg:$0x1];
	p0 =	sne.s32 s2, $0x0  }
0x3a: {  	s3 =	rddreg [dreg:$0x2];
	[bflag:$0x3] =	sbarrier.arrive $0xFFFF;
	s2 =	simm.s32 @!p0 $0x1C02  }
0x3b: {  	[timem:s3], [sflag:s2] =	dma.local @!p0 [hbm:s0], s1  }
0x3c: {  	s0 =	simm.s32 @!p0 $0x2  }
0x3d: {  	_ =	swait.ge @!p0 [sflag:s0], s1  }
0x3e: {  	s1 =	ssub.s32 @!p0 $0x0, s1;
	[sflag:s0] =	ssyncset.done @!p0 $0x0  }
0x3f: {  	[sflag:s0] =	ssyncadd.s32 @!p0 s1  }
0x40: {  	[bflag:$0x3] =	sbarrier.arrive $0xFFFF  }
0x41: {  	_ =	shalt  }

</sc_bundles>
